<compile_context>
chip_gen: v7x
topology: tpu7x:2x2x1
jax: 0.10.2.dev20260603
libtpu: 0.0.44.dev20260713+nightly
codegen_flags: <defaults>
</compile_context>

<pallas_src>
import functools

import jax
import jax.numpy as jnp
from jax import lax
from jax.experimental import pallas as pl
from jax.experimental.pallas import tpu as pltpu
from jax.experimental.pallas import tpu_sc as plsc

VOCAB = 1000000
EMB = 64
B = 4096
L = 200
N = B * L

NC = 2
NS = 16
NW = NC * NS
BLK = 512
TASKS = N // BLK
PER_W = TASKS // NW
ET = EMB // 8
BT = BLK // 128
SROWS = ET * BT * 8
SPAD = 130
OROWS = L * EMB * B // 128


def _make_fused_kernel():
    mesh = plsc.VectorSubcoreMesh(core_axis_name="c", subcore_axis_name="s")

    @functools.partial(
        pl.kernel,
        mesh=mesh,
        out_type=jax.ShapeDtypeStruct((OROWS, 128), jnp.float32),
        compiler_params=pltpu.CompilerParams(
            use_tc_tiling_on_sc=False, needs_layout_passes=False
        ),
        scratch_types=[
            pltpu.VMEM((BLK,), jnp.int32),
            pltpu.VMEM((BLK,), jnp.int32),
            pltpu.VMEM((BLK, EMB), jnp.float32),
            pltpu.VMEM((BLK, EMB), jnp.float32),
            pltpu.VMEM((SROWS, SPAD), jnp.float32),
            pltpu.SemaphoreType.DMA,
            pltpu.SemaphoreType.DMA,
        ],
    )
    def fused_kernel(tab_hbm, idx_hbm, out_hbm, idx_a, idx_b, rows_a, rows_b,
                     stg, sem_a, sem_b):
        wid = lax.axis_index("s") * NC + lax.axis_index("c")
        k0 = wid * PER_W
        io16 = lax.iota(jnp.int32, 16)
        rowc = []
        for e0 in range(0, EMB, 16):
            e16 = e0 + io16
            rowc.append(lax.shift_right_logical(e16, 3) * (BT * 8) + (e16 & 7))

        def stage(k, idx_v, rows_v, sem):
            pltpu.sync_copy(idx_hbm.at[pl.ds(k * BLK, BLK)], idx_v)
            return pltpu.async_copy(tab_hbm.at[idx_v], rows_v, sem)

        def consume(k, rows_v):
            @plsc.parallel_loop(0, BLK, unroll=16)
            def _(j):
                bt8 = lax.shift_right_logical(j, 7) * 8
                col = jnp.full((16,), 0, jnp.int32) + (j & 127)
                for q in range(EMB // 16):
                    vec = rows_v[j, pl.ds(q * 16, 16)]
                    plsc.store_scatter(stg, [rowc[q] + bt8, col], vec)

            l = lax.shift_right_logical(k, 3)
            blk = k & 7
            for et in range(ET):
                drow = l * (EMB * B // 128) + et * (8 * B // 128) + blk * 32
                pltpu.sync_copy(
                    stg.at[pl.ds(et * 32, 32), pl.ds(0, 128)],
                    out_hbm.at[pl.ds(drow, 32)],
                )

        def pair_body(i, carry):
            k = k0 + i * 2
            cp_b = stage(k + 1, idx_b, rows_b, sem_b)
            pltpu.make_async_copy(tab_hbm.at[pl.ds(0, BLK)], rows_a, sem_a).wait()
            consume(k, rows_a)

            @pl.when(i < PER_W // 2 - 1)
            def _():
                stage(k + 2, idx_a, rows_a, sem_a)

            cp_b.wait()
            consume(k + 1, rows_b)
            return carry

        stage(k0, idx_a, rows_a, sem_a)
        lax.fori_loop(0, PER_W // 2, pair_body, 0)

    return fused_kernel


_fused = _make_fused_kernel()


def kernel(mode, word_inputs, word_seq_lengths, table):
    idx_f = word_inputs.astype(jnp.int32).T.reshape(N)
    out_rows = _fused(table, idx_f)
    return out_rows.reshape(L, ET, B // 128, 8, 128).transpose(
        2, 4, 0, 1, 3
    ).reshape(B, L, EMB)

# --- scband reference (transcript-rebuilt; emitter-appended) ---
"""Pipeline reference for scband-word-rep-59279138620023 (READ-ONLY COPY).

The authoritative reference and input builder live on the scoring server;
editing this copy changes nothing except your own understanding.
"""

import jax, jax.numpy as jnp
import numpy as np

VOCAB = 1000000
EMB = 64
B = 4096
L = 200

def setup_inputs(seed: int = 0) -> dict:
    key = jax.random.key(seed)
    k1, k2, k3 = jax.random.split(key, 3)
    word_inputs = jax.random.randint(k1, (B, L), 0, VOCAB).astype(jnp.int64)
    word_seq_lengths = jax.random.randint(k2, (B,), 1, L + 1).astype(jnp.int64)
    table = jax.random.normal(k3, (VOCAB, EMB), dtype=jnp.float32)
    mode = 0
    return {"mode": mode, "word_inputs": word_inputs, "word_seq_lengths": word_seq_lengths, "table": table}

def reference(mode, word_inputs, word_seq_lengths, table):
    # word_embeds = self.word_embedding(word_inputs)
    word_embeds = jnp.take(table, word_inputs, axis=0)
    # word_list = [word_embeds]; torch.cat(word_list, 2) is identity for a single tensor
    word_represent = jnp.concatenate([word_embeds], axis=2)
    # dropout in eval mode is identity (deterministic reference)
    return word_represent

if __name__ == "__main__":
    import jax
    _d = setup_inputs()
    print(jax.jit(kernel)(*tuple(_d.values())))

</pallas_src>

<mosaic_0001>
#map = affine_map<(d0, d1) -> (0, 0)>
#map1 = affine_map<(d0, d1) -> (0)>
module attributes {stable_mosaic.version = 14 : i64} {
  func.func @fused_kernel(%arg0: i32, %arg1: i32, %arg2: memref<1000000x64xf32, #tpu.memory_space<hbm>>, %arg3: memref<819200xi32, #tpu.memory_space<hbm>>, %arg4: memref<409600x128xf32, #tpu.memory_space<hbm>>, %arg5: memref<512xi32, #tpu.memory_space<vmem>>, %arg6: memref<512xi32, #tpu.memory_space<vmem>>, %arg7: memref<512x64xf32, #tpu.memory_space<vmem>>, %arg8: memref<512x64xf32, #tpu.memory_space<vmem>>, %arg9: memref<256x130xf32, #tpu.memory_space<vmem>>, %arg10: memref<!tpu.dma_semaphore, #tpu.memory_space<semaphore_mem>>, %arg11: memref<!tpu.dma_semaphore, #tpu.memory_space<semaphore_mem>>) attributes {dimension_semantics = [#tpu.dimension_semantics<core_parallel>, #tpu.dimension_semantics<subcore_parallel>], iteration_bounds = array<i64: 2, 16>, scalar_prefetch = 0 : i64, scratch_operands = 7 : i64, tpu.core_type = #tpu.core_type<sc_vector_subcore>, window_params = [{transform_indices = #map}, {transform_indices = #map1}, {transform_indices = #map}]} {
    %mul3A = arith.constant 2 : i32
    %mul3A_0 = arith.muli %arg1, %mul3A : i32
    %add3A = arith.addi %mul3A_0, %arg0 : i32
    %mul3A_1 = arith.constant 50 : i32
    %mul3A_2 = arith.muli %add3A, %mul3A_1 : i32
    %iota3A = tpu.iota {dimensions = array<i32: 0>} : vector<16xi32>
    %add3A_3 = arith.constant 0 : i32
    %add3A_4 = vector.broadcast %add3A_3 : i32 to vector<16xi32>
    %add3A_5 = arith.addi %add3A_4, %iota3A : vector<16xi32>
    %shift_right_logical3A = arith.constant 3 : i32
    %shift_right_logical3A_6 = vector.broadcast %shift_right_logical3A : i32 to vector<16xi32>
    %shift_right_logical3A_7 = arith.shrui %add3A_5, %shift_right_logical3A_6 : vector<16xi32>
    %mul3A_8 = arith.constant 32 : i32
    %mul3A_9 = vector.broadcast %mul3A_8 : i32 to vector<16xi32>
    %mul3A_10 = arith.muli %shift_right_logical3A_7, %mul3A_9 : vector<16xi32>
    %and3A = arith.constant 7 : i32
    %and3A_11 = vector.broadcast %and3A : i32 to vector<16xi32>
    %and3A_12 = arith.andi %add3A_5, %and3A_11 : vector<16xi32>
    %add3A_13 = arith.addi %mul3A_10, %and3A_12 : vector<16xi32>
    %add3A_14 = arith.constant 16 : i32
    %add3A_15 = vector.broadcast %add3A_14 : i32 to vector<16xi32>
    %add3A_16 = arith.addi %add3A_15, %iota3A : vector<16xi32>
    %shift_right_logical3A_17 = arith.constant 3 : i32
    %shift_right_logical3A_18 = vector.broadcast %shift_right_logical3A_17 : i32 to vector<16xi32>
    %shift_right_logical3A_19 = arith.shrui %add3A_16, %shift_right_logical3A_18 : vector<16xi32>
    %mul3A_20 = arith.constant 32 : i32
    %mul3A_21 = vector.broadcast %mul3A_20 : i32 to vector<16xi32>
    %mul3A_22 = arith.muli %shift_right_logical3A_19, %mul3A_21 : vector<16xi32>
    %and3A_23 = arith.constant 7 : i32
    %and3A_24 = vector.broadcast %and3A_23 : i32 to vector<16xi32>
    %and3A_25 = arith.andi %add3A_16, %and3A_24 : vector<16xi32>
    %add3A_26 = arith.addi %mul3A_22, %and3A_25 : vector<16xi32>
    %add3A_27 = arith.constant 32 : i32
    %add3A_28 = vector.broadcast %add3A_27 : i32 to vector<16xi32>
    %add3A_29 = arith.addi %add3A_28, %iota3A : vector<16xi32>
    %shift_right_logical3A_30 = arith.constant 3 : i32
    %shift_right_logical3A_31 = vector.broadcast %shift_right_logical3A_30 : i32 to vector<16xi32>
    %shift_right_logical3A_32 = arith.shrui %add3A_29, %shift_right_logical3A_31 : vector<16xi32>
    %mul3A_33 = arith.constant 32 : i32
    %mul3A_34 = vector.broadcast %mul3A_33 : i32 to vector<16xi32>
    %mul3A_35 = arith.muli %shift_right_logical3A_32, %mul3A_34 : vector<16xi32>
    %and3A_36 = arith.constant 7 : i32
    %and3A_37 = vector.broadcast %and3A_36 : i32 to vector<16xi32>
    %and3A_38 = arith.andi %add3A_29, %and3A_37 : vector<16xi32>
    %add3A_39 = arith.addi %mul3A_35, %and3A_38 : vector<16xi32>
    %add3A_40 = arith.constant 48 : i32
    %add3A_41 = vector.broadcast %add3A_40 : i32 to vector<16xi32>
    %add3A_42 = arith.addi %add3A_41, %iota3A : vector<16xi32>
    %shift_right_logical3A_43 = arith.constant 3 : i32
    %shift_right_logical3A_44 = vector.broadcast %shift_right_logical3A_43 : i32 to vector<16xi32>
    %shift_right_logical3A_45 = arith.shrui %add3A_42, %shift_right_logical3A_44 : vector<16xi32>
    %mul3A_46 = arith.constant 32 : i32
    %mul3A_47 = vector.broadcast %mul3A_46 : i32 to vector<16xi32>
    %mul3A_48 = arith.muli %shift_right_logical3A_45, %mul3A_47 : vector<16xi32>
    %and3A_49 = arith.constant 7 : i32
    %and3A_50 = vector.broadcast %and3A_49 : i32 to vector<16xi32>
    %and3A_51 = arith.andi %add3A_42, %and3A_50 : vector<16xi32>
    %add3A_52 = arith.addi %mul3A_48, %and3A_51 : vector<16xi32>
    %mul3A_53 = arith.constant 512 : i32
    %mul3A_54 = arith.muli %mul3A_2, %mul3A_53 : i32
    "tpu.region"() ({
      %run_scoped3A = tpu.sem_alloc : memref<!tpu.dma_semaphore, #tpu.memory_space<semaphore_mem>>
      %dma_start3A_62 = tpu.memref_slice %arg3[%mul3A_54] : memref<819200xi32, #tpu.memory_space<hbm>> -> memref<512xi32, #tpu.memory_space<hbm>>
      %dma_start3A_63 = tpu.memref_slice %arg3[%mul3A_54] : memref<819200xi32, #tpu.memory_space<hbm>> -> memref<512xi32, #tpu.memory_space<hbm>>
      tpu.enqueue_dma source(%dma_start3A_63 : memref<512xi32, #tpu.memory_space<hbm>>) target(%arg5 : memref<512xi32, #tpu.memory_space<vmem>>) target_semaphore(%run_scoped3A : memref<!tpu.dma_semaphore, #tpu.memory_space<semaphore_mem>>)
      %dma_wait3A = tpu.memref_slice %arg3[%mul3A_54] : memref<819200xi32, #tpu.memory_space<hbm>> -> memref<512xi32, #tpu.memory_space<hbm>>
      %dma_wait3A_64 = tpu.memref_slice %arg3[%mul3A_54] : memref<819200xi32, #tpu.memory_space<hbm>> -> memref<512xi32, #tpu.memory_space<hbm>>
      tpu.wait_dma2 semaphore(%run_scoped3A : memref<!tpu.dma_semaphore, #tpu.memory_space<semaphore_mem>>) src(%dma_wait3A_64 : memref<512xi32, #tpu.memory_space<hbm>>) dst(%arg5 : memref<512xi32, #tpu.memory_space<vmem>>)
      tpu.yield
    }) : () -> ()
    %dma_start3A = arith.constant 0 : i32
    %dma_start3A_55 = arith.constant 0 : i32
    %dma_start3A_56 = tpu.memref_slice %arg2[%dma_start3A, %dma_start3A_55] : memref<1000000x64xf32, #tpu.memory_space<hbm>> -> memref<1000000x64xf32, #tpu.memory_space<hbm>>
    tpu.enqueue_indirect_dma source(%dma_start3A_56 : memref<1000000x64xf32, #tpu.memory_space<hbm>>) target(%arg7 : memref<512x64xf32, #tpu.memory_space<vmem>>) offsets(%arg5 : memref<512xi32, #tpu.memory_space<vmem>>) semaphore(%arg10 : memref<!tpu.dma_semaphore, #tpu.memory_space<semaphore_mem>>)
    %scan3A = arith.constant 0 : i32
    %scan3A_57 = arith.constant 0 : i32
    %scan3A_58 = arith.constant 25 : i32
    %scan3A_59 = arith.addi %scan3A_57, %scan3A_58 : i32
    %scan3A_60 = arith.constant 1 : i32
    scf.for %scan3A_62 = %scan3A_57 to %scan3A_59 step %scan3A_60  : i32 {
      %mul3A_63 = arith.constant 2 : i32
      %mul3A_64 = arith.muli %scan3A_62, %mul3A_63 : i32
      %add3A_65 = arith.addi %mul3A_2, %mul3A_64 : i32
      %add3A_66 = arith.constant 1 : i32
      %add3A_67 = arith.addi %add3A_65, %add3A_66 : i32
      %mul3A_68 = arith.constant 512 : i32
      %mul3A_69 = arith.muli %add3A_67, %mul3A_68 : i32
      "tpu.region"() ({
        %run_scoped3A = tpu.sem_alloc : memref<!tpu.dma_semaphore, #tpu.memory_space<semaphore_mem>>
        %dma_start3A_210 = tpu.memref_slice %arg3[%mul3A_69] : memref<819200xi32, #tpu.memory_space<hbm>> -> memref<512xi32, #tpu.memory_space<hbm>>
        %dma_start3A_211 = tpu.memref_slice %arg3[%mul3A_69] : memref<819200xi32, #tpu.memory_space<hbm>> -> memref<512xi32, #tpu.memory_space<hbm>>
        tpu.enqueue_dma source(%dma_start3A_211 : memref<512xi32, #tpu.memory_space<hbm>>) target(%arg6 : memref<512xi32, #tpu.memory_space<vmem>>) target_semaphore(%run_scoped3A : memref<!tpu.dma_semaphore, #tpu.memory_space<semaphore_mem>>)
        %dma_wait3A_212 = tpu.memref_slice %arg3[%mul3A_69] : memref<819200xi32, #tpu.memory_space<hbm>> -> memref<512xi32, #tpu.memory_space<hbm>>
        %dma_wait3A_213 = tpu.memref_slice %arg3[%mul3A_69] : memref<819200xi32, #tpu.memory_space<hbm>> -> memref<512xi32, #tpu.memory_space<hbm>>
        tpu.wait_dma2 semaphore(%run_scoped3A : memref<!tpu.dma_semaphore, #tpu.memory_space<semaphore_mem>>) src(%dma_wait3A_213 : memref<512xi32, #tpu.memory_space<hbm>>) dst(%arg6 : memref<512xi32, #tpu.memory_space<vmem>>)
        tpu.yield
      }) : () -> ()
      %dma_start3A_70 = arith.constant 0 : i32
      %dma_start3A_71 = arith.constant 0 : i32
      %dma_start3A_72 = tpu.memref_slice %arg2[%dma_start3A_70, %dma_start3A_71] : memref<1000000x64xf32, #tpu.memory_space<hbm>> -> memref<1000000x64xf32, #tpu.memory_space<hbm>>
      tpu.enqueue_indirect_dma source(%dma_start3A_72 : memref<1000000x64xf32, #tpu.memory_space<hbm>>) target(%arg8 : memref<512x64xf32, #tpu.memory_space<vmem>>) offsets(%arg6 : memref<512xi32, #tpu.memory_space<vmem>>) semaphore(%arg11 : memref<!tpu.dma_semaphore, #tpu.memory_space<semaphore_mem>>)
      %dma_wait3A = arith.constant 0 : i32
      %dma_wait3A_73 = arith.constant 0 : i32
      %dma_wait3A_74 = tpu.memref_slice %arg2[%dma_wait3A, %dma_wait3A_73] : memref<1000000x64xf32, #tpu.memory_space<hbm>> -> memref<512x64xf32, #tpu.memory_space<hbm>>
      %dma_wait3A_75 = arith.constant 0 : i32
      %dma_wait3A_76 = arith.constant 0 : i32
      %dma_wait3A_77 = tpu.memref_slice %arg2[%dma_wait3A_75, %dma_wait3A_76] : memref<1000000x64xf32, #tpu.memory_space<hbm>> -> memref<512x64xf32, #tpu.memory_space<hbm>>
      tpu.wait_dma2 semaphore(%arg10 : memref<!tpu.dma_semaphore, #tpu.memory_space<semaphore_mem>>) src(%dma_wait3A_77 : memref<512x64xf32, #tpu.memory_space<hbm>>) dst(%arg7 : memref<512x64xf32, #tpu.memory_space<vmem>>)
      %parallel_loop3A = arith.constant 0 : i32
      %parallel_loop3A_78 = arith.constant 512 : i32
      %parallel_loop3A_79 = arith.constant 1 : i32
      scf.for %parallel_loop3A_210 = %parallel_loop3A to %parallel_loop3A_78 step %parallel_loop3A_79  : i32 {
        %parallel_loop3A_211 = arith.constant 7 : i32
        %parallel_loop3A_212 = arith.shrui %parallel_loop3A_210, %parallel_loop3A_211 : i32
        %parallel_loop3A_213 = arith.constant 8 : i32
        %parallel_loop3A_214 = arith.muli %parallel_loop3A_212, %parallel_loop3A_213 : i32
        %parallel_loop3A_215 = arith.constant 0 : i32
        %parallel_loop3A_216 = vector.broadcast %parallel_loop3A_215 : i32 to vector<16xi32>
        %parallel_loop3A_217 = arith.constant 127 : i32
        %parallel_loop3A_218 = arith.andi %parallel_loop3A_210, %parallel_loop3A_217 : i32
        %parallel_loop3A_219 = vector.broadcast %parallel_loop3A_218 : i32 to vector<16xi32>
        %parallel_loop3A_220 = arith.addi %parallel_loop3A_216, %parallel_loop3A_219 : vector<16xi32>
        %parallel_loop3A_221 = arith.index_cast %parallel_loop3A_210 : i32 to index
        %parallel_loop3A_222 = arith.constant 0 : index
        %parallel_loop3A_223 = tpu.vector_load %arg7[%parallel_loop3A_221, %parallel_loop3A_222] {strides = array<i32>} : memref<512x64xf32, #tpu.memory_space<vmem>>, vector<16xf32>,
        %parallel_loop3A_224 = vector.broadcast %parallel_loop3A_214 : i32 to vector<16xi32>
        %parallel_loop3A_225 = arith.addi %add3A_13, %parallel_loop3A_224 : vector<16xi32>
        tpu.vector_store_idx %arg9[%parallel_loop3A_225, %parallel_loop3A_220], %parallel_loop3A_223 : memref<256x130xf32, #tpu.memory_space<vmem>>[vector<16xi32>, vector<16xi32>], vector<16xf32>,
        %parallel_loop3A_226 = arith.index_cast %parallel_loop3A_210 : i32 to index
        %parallel_loop3A_227 = arith.constant 16 : index
        %parallel_loop3A_228 = tpu.vector_load %arg7[%parallel_loop3A_226, %parallel_loop3A_227] {strides = array<i32>} : memref<512x64xf32, #tpu.memory_space<vmem>>, vector<16xf32>,
        %parallel_loop3A_229 = vector.broadcast %parallel_loop3A_214 : i32 to vector<16xi32>
        %parallel_loop3A_230 = arith.addi %add3A_26, %parallel_loop3A_229 : vector<16xi32>
        tpu.vector_store_idx %arg9[%parallel_loop3A_230, %parallel_loop3A_220], %parallel_loop3A_228 : memref<256x130xf32, #tpu.memory_space<vmem>>[vector<16xi32>, vector<16xi32>], vector<16xf32>,
        %parallel_loop3A_231 = arith.index_cast %parallel_loop3A_210 : i32 to index
        %parallel_loop3A_232 = arith.constant 32 : index
        %parallel_loop3A_233 = tpu.vector_load %arg7[%parallel_loop3A_231, %parallel_loop3A_232] {strides = array<i32>} : memref<512x64xf32, #tpu.memory_space<vmem>>, vector<16xf32>,
        %parallel_loop3A_234 = vector.broadcast %parallel_loop3A_214 : i32 to vector<16xi32>
        %parallel_loop3A_235 = arith.addi %add3A_39, %parallel_loop3A_234 : vector<16xi32>
        tpu.vector_store_idx %arg9[%parallel_loop3A_235, %parallel_loop3A_220], %parallel_loop3A_233 : memref<256x130xf32, #tpu.memory_space<vmem>>[vector<16xi32>, vector<16xi32>], vector<16xf32>,
        %parallel_loop3A_236 = arith.index_cast %parallel_loop3A_210 : i32 to index
        %parallel_loop3A_237 = arith.constant 48 : index
        %parallel_loop3A_238 = tpu.vector_load %arg7[%parallel_loop3A_236, %parallel_loop3A_237] {strides = array<i32>} : memref<512x64xf32, #tpu.memory_space<vmem>>, vector<16xf32>,
        %parallel_loop3A_239 = vector.broadcast %parallel_loop3A_214 : i32 to vector<16xi32>
        %parallel_loop3A_240 = arith.addi %add3A_52, %parallel_loop3A_239 : vector<16xi32>
        tpu.vector_store_idx %arg9[%parallel_loop3A_240, %parallel_loop3A_220], %parallel_loop3A_238 : memref<256x130xf32, #tpu.memory_space<vmem>>[vector<16xi32>, vector<16xi32>], vector<16xf32>,
      } {sc.loop_unroll_factor = 16 : i64, sc.parallel_access}
      %shift_right_logical3A_80 = arith.constant 3 : i32
      %shift_right_logical3A_81 = arith.shrui %add3A_65, %shift_right_logical3A_80 : i32
      %and3A_82 = arith.constant 7 : i32
      %and3A_83 = arith.andi %add3A_65, %and3A_82 : i32
      %mul3A_84 = arith.constant 2048 : i32
      %mul3A_85 = arith.muli %shift_right_logical3A_81, %mul3A_84 : i32
      %add3A_86 = arith.constant 0 : i32
      %add3A_87 = arith.addi %mul3A_85, %add3A_86 : i32
      %mul3A_88 = arith.constant 32 : i32
      %mul3A_89 = arith.muli %and3A_83, %mul3A_88 : i32
      %add3A_90 = arith.addi %add3A_87, %mul3A_89 : i32
      "tpu.region"() ({
        %run_scoped3A = tpu.sem_alloc : memref<!tpu.dma_semaphore, #tpu.memory_space<semaphore_mem>>
        %dma_start3A_210 = arith.constant 0 : i32
        %dma_start3A_211 = arith.constant 0 : i32
        %dma_start3A_212 = tpu.memref_slice %arg9[%dma_start3A_210, %dma_start3A_211] : memref<256x130xf32, #tpu.memory_space<vmem>> -> memref<32x128xf32, #tpu.memory_space<vmem>>
        %dma_start3A_213 = arith.constant 0 : i32
        %dma_start3A_214 = tpu.memref_slice %arg4[%add3A_90, %dma_start3A_213] : memref<409600x128xf32, #tpu.memory_space<hbm>> -> memref<32x128xf32, #tpu.memory_space<hbm>>
        %dma_start3A_215 = arith.constant 0 : i32
        %dma_start3A_216 = tpu.memref_slice %arg4[%add3A_90, %dma_start3A_215] : memref<409600x128xf32, #tpu.memory_space<hbm>> -> memref<32x128xf32, #tpu.memory_space<hbm>>
        %dma_start3A_217 = arith.constant 0 : i32
        %dma_start3A_218 = arith.constant 0 : i32
        %dma_start3A_219 = tpu.memref_slice %arg9[%dma_start3A_217, %dma_start3A_218] : memref<256x130xf32, #tpu.memory_space<vmem>> -> memref<32x128xf32, #tpu.memory_space<vmem>>
        tpu.enqueue_dma source(%dma_start3A_219 : memref<32x128xf32, #tpu.memory_space<vmem>>) target(%dma_start3A_216 : memref<32x128xf32, #tpu.memory_space<hbm>>) target_semaphore(%run_scoped3A : memref<!tpu.dma_semaphore, #tpu.memory_space<semaphore_mem>>)
        %dma_wait3A_220 = arith.constant 0 : i32
        %dma_wait3A_221 = arith.constant 0 : i32
        %dma_wait3A_222 = tpu.memref_slice %arg9[%dma_wait3A_220, %dma_wait3A_221] : memref<256x130xf32, #tpu.memory_space<vmem>> -> memref<32x128xf32, #tpu.memory_space<vmem>>
        %dma_wait3A_223 = arith.constant 0 : i32
        %dma_wait3A_224 = tpu.memref_slice %arg4[%add3A_90, %dma_wait3A_223] : memref<409600x128xf32, #tpu.memory_space<hbm>> -> memref<32x128xf32, #tpu.memory_space<hbm>>
        %dma_wait3A_225 = arith.constant 0 : i32
        %dma_wait3A_226 = tpu.memref_slice %arg4[%add3A_90, %dma_wait3A_225] : memref<409600x128xf32, #tpu.memory_space<hbm>> -> memref<32x128xf32, #tpu.memory_space<hbm>>
        %dma_wait3A_227 = arith.constant 0 : i32
        %dma_wait3A_228 = arith.constant 0 : i32
        %dma_wait3A_229 = tpu.memref_slice %arg9[%dma_wait3A_227, %dma_wait3A_228] : memref<256x130xf32, #tpu.memory_space<vmem>> -> memref<32x128xf32, #tpu.memory_space<vmem>>
        tpu.wait_dma2 semaphore(%run_scoped3A : memref<!tpu.dma_semaphore, #tpu.memory_space<semaphore_mem>>) src(%dma_wait3A_229 : memref<32x128xf32, #tpu.memory_space<vmem>>) dst(%dma_wait3A_226 : memref<32x128xf32, #tpu.memory_space<hbm>>)
        tpu.yield
      }) : () -> ()
      %mul3A_91 = arith.constant 2048 : i32
      %mul3A_92 = arith.muli %shift_right_logical3A_81, %mul3A_91 : i32
      %add3A_93 = arith.constant 256 : i32
      %add3A_94 = arith.addi %mul3A_92, %add3A_93 : i32
      %mul3A_95 = arith.constant 32 : i32
      %mul3A_96 = arith.muli %and3A_83, %mul3A_95 : i32
      %add3A_97 = arith.addi %add3A_94, %mul3A_96 : i32
      "tpu.region"() ({
        %run_scoped3A = tpu.sem_alloc : memref<!tpu.dma_semaphore, #tpu.memory_space<semaphore_mem>>
        %dma_start3A_210 = arith.constant 32 : i32
        %dma_start3A_211 = arith.constant 0 : i32
        %dma_start3A_212 = tpu.memref_slice %arg9[%dma_start3A_210, %dma_start3A_211] : memref<256x130xf32, #tpu.memory_space<vmem>> -> memref<32x128xf32, #tpu.memory_space<vmem>>
        %dma_start3A_213 = arith.constant 0 : i32
        %dma_start3A_214 = tpu.memref_slice %arg4[%add3A_97, %dma_start3A_213] : memref<409600x128xf32, #tpu.memory_space<hbm>> -> memref<32x128xf32, #tpu.memory_space<hbm>>
        %dma_start3A_215 = arith.constant 0 : i32
        %dma_start3A_216 = tpu.memref_slice %arg4[%add3A_97, %dma_start3A_215] : memref<409600x128xf32, #tpu.memory_space<hbm>> -> memref<32x128xf32, #tpu.memory_space<hbm>>
        %dma_start3A_217 = arith.constant 32 : i32
        %dma_start3A_218 = arith.constant 0 : i32
        %dma_start3A_219 = tpu.memref_slice %arg9[%dma_start3A_217, %dma_start3A_218] : memref<256x130xf32, #tpu.memory_space<vmem>> -> memref<32x128xf32, #tpu.memory_space<vmem>>
        tpu.enqueue_dma source(%dma_start3A_219 : memref<32x128xf32, #tpu.memory_space<vmem>>) target(%dma_start3A_216 : memref<32x128xf32, #tpu.memory_space<hbm>>) target_semaphore(%run_scoped3A : memref<!tpu.dma_semaphore, #tpu.memory_space<semaphore_mem>>)
        %dma_wait3A_220 = arith.constant 32 : i32
        %dma_wait3A_221 = arith.constant 0 : i32
        %dma_wait3A_222 = tpu.memref_slice %arg9[%dma_wait3A_220, %dma_wait3A_221] : memref<256x130xf32, #tpu.memory_space<vmem>> -> memref<32x128xf32, #tpu.memory_space<vmem>>
        %dma_wait3A_223 = arith.constant 0 : i32
        %dma_wait3A_224 = tpu.memref_slice %arg4[%add3A_97, %dma_wait3A_223] : memref<409600x128xf32, #tpu.memory_space<hbm>> -> memref<32x128xf32, #tpu.memory_space<hbm>>
        %dma_wait3A_225 = arith.constant 0 : i32
        %dma_wait3A_226 = tpu.memref_slice %arg4[%add3A_97, %dma_wait3A_225] : memref<409600x128xf32, #tpu.memory_space<hbm>> -> memref<32x128xf32, #tpu.memory_space<hbm>>
        %dma_wait3A_227 = arith.constant 32 : i32
        %dma_wait3A_228 = arith.constant 0 : i32
        %dma_wait3A_229 = tpu.memref_slice %arg9[%dma_wait3A_227, %dma_wait3A_228] : memref<256x130xf32, #tpu.memory_space<vmem>> -> memref<32x128xf32, #tpu.memory_space<vmem>>
        tpu.wait_dma2 semaphore(%run_scoped3A : memref<!tpu.dma_semaphore, #tpu.memory_space<semaphore_mem>>) src(%dma_wait3A_229 : memref<32x128xf32, #tpu.memory_space<vmem>>) dst(%dma_wait3A_226 : memref<32x128xf32, #tpu.memory_space<hbm>>)
        tpu.yield
      }) : () -> ()
      %mul3A_98 = arith.constant 2048 : i32
      %mul3A_99 = arith.muli %shift_right_logical3A_81, %mul3A_98 : i32
      %add3A_100 = arith.constant 512 : i32
      %add3A_101 = arith.addi %mul3A_99, %add3A_100 : i32
      %mul3A_102 = arith.constant 32 : i32
      %mul3A_103 = arith.muli %and3A_83, %mul3A_102 : i32
      %add3A_104 = arith.addi %add3A_101, %mul3A_103 : i32
      "tpu.region"() ({
        %run_scoped3A = tpu.sem_alloc : memref<!tpu.dma_semaphore, #tpu.memory_space<semaphore_mem>>
        %dma_start3A_210 = arith.constant 64 : i32
        %dma_start3A_211 = arith.constant 0 : i32
        %dma_start3A_212 = tpu.memref_slice %arg9[%dma_start3A_210, %dma_start3A_211] : memref<256x130xf32, #tpu.memory_space<vmem>> -> memref<32x128xf32, #tpu.memory_space<vmem>>
        %dma_start3A_213 = arith.constant 0 : i32
        %dma_start3A_214 = tpu.memref_slice %arg4[%add3A_104, %dma_start3A_213] : memref<409600x128xf32, #tpu.memory_space<hbm>> -> memref<32x128xf32, #tpu.memory_space<hbm>>
        %dma_start3A_215 = arith.constant 0 : i32
        %dma_start3A_216 = tpu.memref_slice %arg4[%add3A_104, %dma_start3A_215] : memref<409600x128xf32, #tpu.memory_space<hbm>> -> memref<32x128xf32, #tpu.memory_space<hbm>>
        %dma_start3A_217 = arith.constant 64 : i32
        %dma_start3A_218 = arith.constant 0 : i32
        %dma_start3A_219 = tpu.memref_slice %arg9[%dma_start3A_217, %dma_start3A_218] : memref<256x130xf32, #tpu.memory_space<vmem>> -> memref<32x128xf32, #tpu.memory_space<vmem>>
        tpu.enqueue_dma source(%dma_start3A_219 : memref<32x128xf32, #tpu.memory_space<vmem>>) target(%dma_start3A_216 : memref<32x128xf32, #tpu.memory_space<hbm>>) target_semaphore(%run_scoped3A : memref<!tpu.dma_semaphore, #tpu.memory_space<semaphore_mem>>)
        %dma_wait3A_220 = arith.constant 64 : i32
        %dma_wait3A_221 = arith.constant 0 : i32
        %dma_wait3A_222 = tpu.memref_slice %arg9[%dma_wait3A_220, %dma_wait3A_221] : memref<256x130xf32, #tpu.memory_space<vmem>> -> memref<32x128xf32, #tpu.memory_space<vmem>>
        %dma_wait3A_223 = arith.constant 0 : i32
        %dma_wait3A_224 = tpu.memref_slice %arg4[%add3A_104, %dma_wait3A_223] : memref<409600x128xf32, #tpu.memory_space<hbm>> -> memref<32x128xf32, #tpu.memory_space<hbm>>
        %dma_wait3A_225 = arith.constant 0 : i32
        %dma_wait3A_226 = tpu.memref_slice %arg4[%add3A_104, %dma_wait3A_225] : memref<409600x128xf32, #tpu.memory_space<hbm>> -> memref<32x128xf32, #tpu.memory_space<hbm>>
        %dma_wait3A_227 = arith.constant 64 : i32
        %dma_wait3A_228 = arith.constant 0 : i32
        %dma_wait3A_229 = tpu.memref_slice %arg9[%dma_wait3A_227, %dma_wait3A_228] : memref<256x130xf32, #tpu.memory_space<vmem>> -> memref<32x128xf32, #tpu.memory_space<vmem>>
        tpu.wait_dma2 semaphore(%run_scoped3A : memref<!tpu.dma_semaphore, #tpu.memory_space<semaphore_mem>>) src(%dma_wait3A_229 : memref<32x128xf32, #tpu.memory_space<vmem>>) dst(%dma_wait3A_226 : memref<32x128xf32, #tpu.memory_space<hbm>>)
        tpu.yield
      }) : () -> ()
      %mul3A_105 = arith.constant 2048 : i32
      %mul3A_106 = arith.muli %shift_right_logical3A_81, %mul3A_105 : i32
      %add3A_107 = arith.constant 768 : i32
      %add3A_108 = arith.addi %mul3A_106, %add3A_107 : i32
      %mul3A_109 = arith.constant 32 : i32
      %mul3A_110 = arith.muli %and3A_83, %mul3A_109 : i32
      %add3A_111 = arith.addi %add3A_108, %mul3A_110 : i32
      "tpu.region"() ({
        %run_scoped3A = tpu.sem_alloc : memref<!tpu.dma_semaphore, #tpu.memory_space<semaphore_mem>>
        %dma_start3A_210 = arith.constant 96 : i32
        %dma_start3A_211 = arith.constant 0 : i32
        %dma_start3A_212 = tpu.memref_slice %arg9[%dma_start3A_210, %dma_start3A_211] : memref<256x130xf32, #tpu.memory_space<vmem>> -> memref<32x128xf32, #tpu.memory_space<vmem>>
        %dma_start3A_213 = arith.constant 0 : i32
        %dma_start3A_214 = tpu.memref_slice %arg4[%add3A_111, %dma_start3A_213] : memref<409600x128xf32, #tpu.memory_space<hbm>> -> memref<32x128xf32, #tpu.memory_space<hbm>>
        %dma_start3A_215 = arith.constant 0 : i32
        %dma_start3A_216 = tpu.memref_slice %arg4[%add3A_111, %dma_start3A_215] : memref<409600x128xf32, #tpu.memory_space<hbm>> -> memref<32x128xf32, #tpu.memory_space<hbm>>
        %dma_start3A_217 = arith.constant 96 : i32
        %dma_start3A_218 = arith.constant 0 : i32
        %dma_start3A_219 = tpu.memref_slice %arg9[%dma_start3A_217, %dma_start3A_218] : memref<256x130xf32, #tpu.memory_space<vmem>> -> memref<32x128xf32, #tpu.memory_space<vmem>>
        tpu.enqueue_dma source(%dma_start3A_219 : memref<32x128xf32, #tpu.memory_space<vmem>>) target(%dma_start3A_216 : memref<32x128xf32, #tpu.memory_space<hbm>>) target_semaphore(%run_scoped3A : memref<!tpu.dma_semaphore, #tpu.memory_space<semaphore_mem>>)
        %dma_wait3A_220 = arith.constant 96 : i32
        %dma_wait3A_221 = arith.constant 0 : i32
        %dma_wait3A_222 = tpu.memref_slice %arg9[%dma_wait3A_220, %dma_wait3A_221] : memref<256x130xf32, #tpu.memory_space<vmem>> -> memref<32x128xf32, #tpu.memory_space<vmem>>
        %dma_wait3A_223 = arith.constant 0 : i32
        %dma_wait3A_224 = tpu.memref_slice %arg4[%add3A_111, %dma_wait3A_223] : memref<409600x128xf32, #tpu.memory_space<hbm>> -> memref<32x128xf32, #tpu.memory_space<hbm>>
        %dma_wait3A_225 = arith.constant 0 : i32
        %dma_wait3A_226 = tpu.memref_slice %arg4[%add3A_111, %dma_wait3A_225] : memref<409600x128xf32, #tpu.memory_space<hbm>> -> memref<32x128xf32, #tpu.memory_space<hbm>>
        %dma_wait3A_227 = arith.constant 96 : i32
        %dma_wait3A_228 = arith.constant 0 : i32
        %dma_wait3A_229 = tpu.memref_slice %arg9[%dma_wait3A_227, %dma_wait3A_228] : memref<256x130xf32, #tpu.memory_space<vmem>> -> memref<32x128xf32, #tpu.memory_space<vmem>>
        tpu.wait_dma2 semaphore(%run_scoped3A : memref<!tpu.dma_semaphore, #tpu.memory_space<semaphore_mem>>) src(%dma_wait3A_229 : memref<32x128xf32, #tpu.memory_space<vmem>>) dst(%dma_wait3A_226 : memref<32x128xf32, #tpu.memory_space<hbm>>)
        tpu.yield
      }) : () -> ()
      %mul3A_112 = arith.constant 2048 : i32
      %mul3A_113 = arith.muli %shift_right_logical3A_81, %mul3A_112 : i32
      %add3A_114 = arith.constant 1024 : i32
      %add3A_115 = arith.addi %mul3A_113, %add3A_114 : i32
      %mul3A_116 = arith.constant 32 : i32
      %mul3A_117 = arith.muli %and3A_83, %mul3A_116 : i32
      %add3A_118 = arith.addi %add3A_115, %mul3A_117 : i32
      "tpu.region"() ({
        %run_scoped3A = tpu.sem_alloc : memref<!tpu.dma_semaphore, #tpu.memory_space<semaphore_mem>>
        %dma_start3A_210 = arith.constant 128 : i32
        %dma_start3A_211 = arith.constant 0 : i32
        %dma_start3A_212 = tpu.memref_slice %arg9[%dma_start3A_210, %dma_start3A_211] : memref<256x130xf32, #tpu.memory_space<vmem>> -> memref<32x128xf32, #tpu.memory_space<vmem>>
        %dma_start3A_213 = arith.constant 0 : i32
        %dma_start3A_214 = tpu.memref_slice %arg4[%add3A_118, %dma_start3A_213] : memref<409600x128xf32, #tpu.memory_space<hbm>> -> memref<32x128xf32, #tpu.memory_space<hbm>>
        %dma_start3A_215 = arith.constant 0 : i32
        %dma_start3A_216 = tpu.memref_slice %arg4[%add3A_118, %dma_start3A_215] : memref<409600x128xf32, #tpu.memory_space<hbm>> -> memref<32x128xf32, #tpu.memory_space<hbm>>
        %dma_start3A_217 = arith.constant 128 : i32
        %dma_start3A_218 = arith.constant 0 : i32
        %dma_start3A_219 = tpu.memref_slice %arg9[%dma_start3A_217, %dma_start3A_218] : memref<256x130xf32, #tpu.memory_space<vmem>> -> memref<32x128xf32, #tpu.memory_space<vmem>>
        tpu.enqueue_dma source(%dma_start3A_219 : memref<32x128xf32, #tpu.memory_space<vmem>>) target(%dma_start3A_216 : memref<32x128xf32, #tpu.memory_space<hbm>>) target_semaphore(%run_scoped3A : memref<!tpu.dma_semaphore, #tpu.memory_space<semaphore_mem>>)
        %dma_wait3A_220 = arith.constant 128 : i32
        %dma_wait3A_221 = arith.constant 0 : i32
        %dma_wait3A_222 = tpu.memref_slice %arg9[%dma_wait3A_220, %dma_wait3A_221] : memref<256x130xf32, #tpu.memory_space<vmem>> -> memref<32x128xf32, #tpu.memory_space<vmem>>
        %dma_wait3A_223 = arith.constant 0 : i32
        %dma_wait3A_224 = tpu.memref_slice %arg4[%add3A_118, %dma_wait3A_223] : memref<409600x128xf32, #tpu.memory_space<hbm>> -> memref<32x128xf32, #tpu.memory_space<hbm>>
        %dma_wait3A_225 = arith.constant 0 : i32
        %dma_wait3A_226 = tpu.memref_slice %arg4[%add3A_118, %dma_wait3A_225] : memref<409600x128xf32, #tpu.memory_space<hbm>> -> memref<32x128xf32, #tpu.memory_space<hbm>>
        %dma_wait3A_227 = arith.constant 128 : i32
        %dma_wait3A_228 = arith.constant 0 : i32
        %dma_wait3A_229 = tpu.memref_slice %arg9[%dma_wait3A_227, %dma_wait3A_228] : memref<256x130xf32, #tpu.memory_space<vmem>> -> memref<32x128xf32, #tpu.memory_space<vmem>>
        tpu.wait_dma2 semaphore(%run_scoped3A : memref<!tpu.dma_semaphore, #tpu.memory_space<semaphore_mem>>) src(%dma_wait3A_229 : memref<32x128xf32, #tpu.memory_space<vmem>>) dst(%dma_wait3A_226 : memref<32x128xf32, #tpu.memory_space<hbm>>)
        tpu.yield
      }) : () -> ()
      %mul3A_119 = arith.constant 2048 : i32
      %mul3A_120 = arith.muli %shift_right_logical3A_81, %mul3A_119 : i32
      %add3A_121 = arith.constant 1280 : i32
      %add3A_122 = arith.addi %mul3A_120, %add3A_121 : i32
      %mul3A_123 = arith.constant 32 : i32
      %mul3A_124 = arith.muli %and3A_83, %mul3A_123 : i32
      %add3A_125 = arith.addi %add3A_122, %mul3A_124 : i32
      "tpu.region"() ({
        %run_scoped3A = tpu.sem_alloc : memref<!tpu.dma_semaphore, #tpu.memory_space<semaphore_mem>>
        %dma_start3A_210 = arith.constant 160 : i32
        %dma_start3A_211 = arith.constant 0 : i32
        %dma_start3A_212 = tpu.memref_slice %arg9[%dma_start3A_210, %dma_start3A_211] : memref<256x130xf32, #tpu.memory_space<vmem>> -> memref<32x128xf32, #tpu.memory_space<vmem>>
        %dma_start3A_213 = arith.constant 0 : i32
        %dma_start3A_214 = tpu.memref_slice %arg4[%add3A_125, %dma_start3A_213] : memref<409600x128xf32, #tpu.memory_space<hbm>> -> memref<32x128xf32, #tpu.memory_space<hbm>>
        %dma_start3A_215 = arith.constant 0 : i32
        %dma_start3A_216 = tpu.memref_slice %arg4[%add3A_125, %dma_start3A_215] : memref<409600x128xf32, #tpu.memory_space<hbm>> -> memref<32x128xf32, #tpu.memory_space<hbm>>
        %dma_start3A_217 = arith.constant 160 : i32
        %dma_start3A_218 = arith.constant 0 : i32
        %dma_start3A_219 = tpu.memref_slice %arg9[%dma_start3A_217, %dma_start3A_218] : memref<256x130xf32, #tpu.memory_space<vmem>> -> memref<32x128xf32, #tpu.memory_space<vmem>>
        tpu.enqueue_dma source(%dma_start3A_219 : memref<32x128xf32, #tpu.memory_space<vmem>>) target(%dma_start3A_216 : memref<32x128xf32, #tpu.memory_space<hbm>>) target_semaphore(%run_scoped3A : memref<!tpu.dma_semaphore, #tpu.memory_space<semaphore_mem>>)
        %dma_wait3A_220 = arith.constant 160 : i32
        %dma_wait3A_221 = arith.constant 0 : i32
        %dma_wait3A_222 = tpu.memref_slice %arg9[%dma_wait3A_220, %dma_wait3A_221] : memref<256x130xf32, #tpu.memory_space<vmem>> -> memref<32x128xf32, #tpu.memory_space<vmem>>
        %dma_wait3A_223 = arith.constant 0 : i32
        %dma_wait3A_224 = tpu.memref_slice %arg4[%add3A_125, %dma_wait3A_223] : memref<409600x128xf32, #tpu.memory_space<hbm>> -> memref<32x128xf32, #tpu.memory_space<hbm>>
        %dma_wait3A_225 = arith.constant 0 : i32
        %dma_wait3A_226 = tpu.memref_slice %arg4[%add3A_125, %dma_wait3A_225] : memref<409600x128xf32, #tpu.memory_space<hbm>> -> memref<32x128xf32, #tpu.memory_space<hbm>>
        %dma_wait3A_227 = arith.constant 160 : i32
        %dma_wait3A_228 = arith.constant 0 : i32
        %dma_wait3A_229 = tpu.memref_slice %arg9[%dma_wait3A_227, %dma_wait3A_228] : memref<256x130xf32, #tpu.memory_space<vmem>> -> memref<32x128xf32, #tpu.memory_space<vmem>>
        tpu.wait_dma2 semaphore(%run_scoped3A : memref<!tpu.dma_semaphore, #tpu.memory_space<semaphore_mem>>) src(%dma_wait3A_229 : memref<32x128xf32, #tpu.memory_space<vmem>>) dst(%dma_wait3A_226 : memref<32x128xf32, #tpu.memory_space<hbm>>)
        tpu.yield
      }) : () -> ()
      %mul3A_126 = arith.constant 2048 : i32
      %mul3A_127 = arith.muli %shift_right_logical3A_81, %mul3A_126 : i32
      %add3A_128 = arith.constant 1536 : i32
      %add3A_129 = arith.addi %mul3A_127, %add3A_128 : i32
      %mul3A_130 = arith.constant 32 : i32
      %mul3A_131 = arith.muli %and3A_83, %mul3A_130 : i32
      %add3A_132 = arith.addi %add3A_129, %mul3A_131 : i32
      "tpu.region"() ({
        %run_scoped3A = tpu.sem_alloc : memref<!tpu.dma_semaphore, #tpu.memory_space<semaphore_mem>>
        %dma_start3A_210 = arith.constant 192 : i32
        %dma_start3A_211 = arith.constant 0 : i32
        %dma_start3A_212 = tpu.memref_slice %arg9[%dma_start3A_210, %dma_start3A_211] : memref<256x130xf32, #tpu.memory_space<vmem>> -> memref<32x128xf32, #tpu.memory_space<vmem>>
        %dma_start3A_213 = arith.constant 0 : i32
        %dma_start3A_214 = tpu.memref_slice %arg4[%add3A_132, %dma_start3A_213] : memref<409600x128xf32, #tpu.memory_space<hbm>> -> memref<32x128xf32, #tpu.memory_space<hbm>>
        %dma_start3A_215 = arith.constant 0 : i32
        %dma_start3A_216 = tpu.memref_slice %arg4[%add3A_132, %dma_start3A_215] : memref<409600x128xf32, #tpu.memory_space<hbm>> -> memref<32x128xf32, #tpu.memory_space<hbm>>
        %dma_start3A_217 = arith.constant 192 : i32
        %dma_start3A_218 = arith.constant 0 : i32
        %dma_start3A_219 = tpu.memref_slice %arg9[%dma_start3A_217, %dma_start3A_218] : memref<256x130xf32, #tpu.memory_space<vmem>> -> memref<32x128xf32, #tpu.memory_space<vmem>>
        tpu.enqueue_dma source(%dma_start3A_219 : memref<32x128xf32, #tpu.memory_space<vmem>>) target(%dma_start3A_216 : memref<32x128xf32, #tpu.memory_space<hbm>>) target_semaphore(%run_scoped3A : memref<!tpu.dma_semaphore, #tpu.memory_space<semaphore_mem>>)
        %dma_wait3A_220 = arith.constant 192 : i32
        %dma_wait3A_221 = arith.constant 0 : i32
        %dma_wait3A_222 = tpu.memref_slice %arg9[%dma_wait3A_220, %dma_wait3A_221] : memref<256x130xf32, #tpu.memory_space<vmem>> -> memref<32x128xf32, #tpu.memory_space<vmem>>
        %dma_wait3A_223 = arith.constant 0 : i32
        %dma_wait3A_224 = tpu.memref_slice %arg4[%add3A_132, %dma_wait3A_223] : memref<409600x128xf32, #tpu.memory_space<hbm>> -> memref<32x128xf32, #tpu.memory_space<hbm>>
        %dma_wait3A_225 = arith.constant 0 : i32
        %dma_wait3A_226 = tpu.memref_slice %arg4[%add3A_132, %dma_wait3A_225] : memref<409600x128xf32, #tpu.memory_space<hbm>> -> memref<32x128xf32, #tpu.memory_space<hbm>>
        %dma_wait3A_227 = arith.constant 192 : i32
        %dma_wait3A_228 = arith.constant 0 : i32
        %dma_wait3A_229 = tpu.memref_slice %arg9[%dma_wait3A_227, %dma_wait3A_228] : memref<256x130xf32, #tpu.memory_space<vmem>> -> memref<32x128xf32, #tpu.memory_space<vmem>>
        tpu.wait_dma2 semaphore(%run_scoped3A : memref<!tpu.dma_semaphore, #tpu.memory_space<semaphore_mem>>) src(%dma_wait3A_229 : memref<32x128xf32, #tpu.memory_space<vmem>>) dst(%dma_wait3A_226 : memref<32x128xf32, #tpu.memory_space<hbm>>)
        tpu.yield
      }) : () -> ()
      %mul3A_133 = arith.constant 2048 : i32
      %mul3A_134 = arith.muli %shift_right_logical3A_81, %mul3A_133 : i32
      %add3A_135 = arith.constant 1792 : i32
      %add3A_136 = arith.addi %mul3A_134, %add3A_135 : i32
      %mul3A_137 = arith.constant 32 : i32
      %mul3A_138 = arith.muli %and3A_83, %mul3A_137 : i32
      %add3A_139 = arith.addi %add3A_136, %mul3A_138 : i32
      "tpu.region"() ({
        %run_scoped3A = tpu.sem_alloc : memref<!tpu.dma_semaphore, #tpu.memory_space<semaphore_mem>>
        %dma_start3A_210 = arith.constant 224 : i32
        %dma_start3A_211 = arith.constant 0 : i32
        %dma_start3A_212 = tpu.memref_slice %arg9[%dma_start3A_210, %dma_start3A_211] : memref<256x130xf32, #tpu.memory_space<vmem>> -> memref<32x128xf32, #tpu.memory_space<vmem>>
        %dma_start3A_213 = arith.constant 0 : i32
        %dma_start3A_214 = tpu.memref_slice %arg4[%add3A_139, %dma_start3A_213] : memref<409600x128xf32, #tpu.memory_space<hbm>> -> memref<32x128xf32, #tpu.memory_space<hbm>>
        %dma_start3A_215 = arith.constant 0 : i32
        %dma_start3A_216 = tpu.memref_slice %arg4[%add3A_139, %dma_start3A_215] : memref<409600x128xf32, #tpu.memory_space<hbm>> -> memref<32x128xf32, #tpu.memory_space<hbm>>
        %dma_start3A_217 = arith.constant 224 : i32
        %dma_start3A_218 = arith.constant 0 : i32
        %dma_start3A_219 = tpu.memref_slice %arg9[%dma_start3A_217, %dma_start3A_218] : memref<256x130xf32, #tpu.memory_space<vmem>> -> memref<32x128xf32, #tpu.memory_space<vmem>>
        tpu.enqueue_dma source(%dma_start3A_219 : memref<32x128xf32, #tpu.memory_space<vmem>>) target(%dma_start3A_216 : memref<32x128xf32, #tpu.memory_space<hbm>>) target_semaphore(%run_scoped3A : memref<!tpu.dma_semaphore, #tpu.memory_space<semaphore_mem>>)
        %dma_wait3A_220 = arith.constant 224 : i32
        %dma_wait3A_221 = arith.constant 0 : i32
        %dma_wait3A_222 = tpu.memref_slice %arg9[%dma_wait3A_220, %dma_wait3A_221] : memref<256x130xf32, #tpu.memory_space<vmem>> -> memref<32x128xf32, #tpu.memory_space<vmem>>
        %dma_wait3A_223 = arith.constant 0 : i32
        %dma_wait3A_224 = tpu.memref_slice %arg4[%add3A_139, %dma_wait3A_223] : memref<409600x128xf32, #tpu.memory_space<hbm>> -> memref<32x128xf32, #tpu.memory_space<hbm>>
        %dma_wait3A_225 = arith.constant 0 : i32
        %dma_wait3A_226 = tpu.memref_slice %arg4[%add3A_139, %dma_wait3A_225] : memref<409600x128xf32, #tpu.memory_space<hbm>> -> memref<32x128xf32, #tpu.memory_space<hbm>>
        %dma_wait3A_227 = arith.constant 224 : i32
        %dma_wait3A_228 = arith.constant 0 : i32
        %dma_wait3A_229 = tpu.memref_slice %arg9[%dma_wait3A_227, %dma_wait3A_228] : memref<256x130xf32, #tpu.memory_space<vmem>> -> memref<32x128xf32, #tpu.memory_space<vmem>>
        tpu.wait_dma2 semaphore(%run_scoped3A : memref<!tpu.dma_semaphore, #tpu.memory_space<semaphore_mem>>) src(%dma_wait3A_229 : memref<32x128xf32, #tpu.memory_space<vmem>>) dst(%dma_wait3A_226 : memref<32x128xf32, #tpu.memory_space<hbm>>)
        tpu.yield
      }) : () -> ()
      %lt3A = arith.constant 24 : i32
      %lt3A_140 = arith.cmpi slt, %scan3A_62, %lt3A : i32
      %convert_element_type3A = arith.extui %lt3A_140 : i1 to i32
      %cond3A = arith.constant 0 : i32
      %cond3A_141 = arith.cmpi ne, %convert_element_type3A, %cond3A : i32
      scf.if %cond3A_141 {
        %add3A_210 = arith.constant 2 : i32
        %add3A_211 = arith.addi %add3A_65, %add3A_210 : i32
        %mul3A_212 = arith.constant 512 : i32
        %mul3A_213 = arith.muli %add3A_211, %mul3A_212 : i32
        "tpu.region"() ({
          %run_scoped3A = tpu.sem_alloc : memref<!tpu.dma_semaphore, #tpu.memory_space<semaphore_mem>>
          %dma_start3A_217 = tpu.memref_slice %arg3[%mul3A_213] : memref<819200xi32, #tpu.memory_space<hbm>> -> memref<512xi32, #tpu.memory_space<hbm>>
          %dma_start3A_218 = tpu.memref_slice %arg3[%mul3A_213] : memref<819200xi32, #tpu.memory_space<hbm>> -> memref<512xi32, #tpu.memory_space<hbm>>
          tpu.enqueue_dma source(%dma_start3A_218 : memref<512xi32, #tpu.memory_space<hbm>>) target(%arg5 : memref<512xi32, #tpu.memory_space<vmem>>) target_semaphore(%run_scoped3A : memref<!tpu.dma_semaphore, #tpu.memory_space<semaphore_mem>>)
          %dma_wait3A_219 = tpu.memref_slice %arg3[%mul3A_213] : memref<819200xi32, #tpu.memory_space<hbm>> -> memref<512xi32, #tpu.memory_space<hbm>>
          %dma_wait3A_220 = tpu.memref_slice %arg3[%mul3A_213] : memref<819200xi32, #tpu.memory_space<hbm>> -> memref<512xi32, #tpu.memory_space<hbm>>
          tpu.wait_dma2 semaphore(%run_scoped3A : memref<!tpu.dma_semaphore, #tpu.memory_space<semaphore_mem>>) src(%dma_wait3A_220 : memref<512xi32, #tpu.memory_space<hbm>>) dst(%arg5 : memref<512xi32, #tpu.memory_space<vmem>>)
          tpu.yield
        }) : () -> ()
        %dma_start3A_214 = arith.constant 0 : i32
        %dma_start3A_215 = arith.constant 0 : i32
        %dma_start3A_216 = tpu.memref_slice %arg2[%dma_start3A_214, %dma_start3A_215] : memref<1000000x64xf32, #tpu.memory_space<hbm>> -> memref<1000000x64xf32, #tpu.memory_space<hbm>>
        tpu.enqueue_indirect_dma source(%dma_start3A_216 : memref<1000000x64xf32, #tpu.memory_space<hbm>>) target(%arg7 : memref<512x64xf32, #tpu.memory_space<vmem>>) offsets(%arg5 : memref<512xi32, #tpu.memory_space<vmem>>) semaphore(%arg10 : memref<!tpu.dma_semaphore, #tpu.memory_space<semaphore_mem>>)
      } else {
      }
      %dma_wait3A_142 = arith.constant 0 : i32
      %dma_wait3A_143 = arith.constant 0 : i32
      %dma_wait3A_144 = tpu.memref_slice %arg2[%dma_wait3A_142, %dma_wait3A_143] : memref<1000000x64xf32, #tpu.memory_space<hbm>> -> memref<1000000x64xf32, #tpu.memory_space<hbm>>
      tpu.wait_indirect_dma semaphore(%arg11 : memref<!tpu.dma_semaphore, #tpu.memory_space<semaphore_mem>>) src(%dma_wait3A_144 : memref<1000000x64xf32, #tpu.memory_space<hbm>>) dst(%arg8 : memref<512x64xf32, #tpu.memory_space<vmem>>)
      %add3A_145 = arith.constant 1 : i32
      %add3A_146 = arith.addi %add3A_65, %add3A_145 : i32
      %parallel_loop3A_147 = arith.constant 0 : i32
      %parallel_loop3A_148 = arith.constant 512 : i32
      %parallel_loop3A_149 = arith.constant 1 : i32
      scf.for %parallel_loop3A_210 = %parallel_loop3A_147 to %parallel_loop3A_148 step %parallel_loop3A_149  : i32 {
        %parallel_loop3A_211 = arith.constant 7 : i32
        %parallel_loop3A_212 = arith.shrui %parallel_loop3A_210, %parallel_loop3A_211 : i32
        %parallel_loop3A_213 = arith.constant 8 : i32
        %parallel_loop3A_214 = arith.muli %parallel_loop3A_212, %parallel_loop3A_213 : i32
        %parallel_loop3A_215 = arith.constant 0 : i32
        %parallel_loop3A_216 = vector.broadcast %parallel_loop3A_215 : i32 to vector<16xi32>
        %parallel_loop3A_217 = arith.constant 127 : i32
        %parallel_loop3A_218 = arith.andi %parallel_loop3A_210, %parallel_loop3A_217 : i32
        %parallel_loop3A_219 = vector.broadcast %parallel_loop3A_218 : i32 to vector<16xi32>
        %parallel_loop3A_220 = arith.addi %parallel_loop3A_216, %parallel_loop3A_219 : vector<16xi32>
        %parallel_loop3A_221 = arith.index_cast %parallel_loop3A_210 : i32 to index
        %parallel_loop3A_222 = arith.constant 0 : index
        %parallel_loop3A_223 = tpu.vector_load %arg8[%parallel_loop3A_221, %parallel_loop3A_222] {strides = array<i32>} : memref<512x64xf32, #tpu.memory_space<vmem>>, vector<16xf32>,
        %parallel_loop3A_224 = vector.broadcast %parallel_loop3A_214 : i32 to vector<16xi32>
        %parallel_loop3A_225 = arith.addi %add3A_13, %parallel_loop3A_224 : vector<16xi32>
        tpu.vector_store_idx %arg9[%parallel_loop3A_225, %parallel_loop3A_220], %parallel_loop3A_223 : memref<256x130xf32, #tpu.memory_space<vmem>>[vector<16xi32>, vector<16xi32>], vector<16xf32>,
        %parallel_loop3A_226 = arith.index_cast %parallel_loop3A_210 : i32 to index
        %parallel_loop3A_227 = arith.constant 16 : index
        %parallel_loop3A_228 = tpu.vector_load %arg8[%parallel_loop3A_226, %parallel_loop3A_227] {strides = array<i32>} : memref<512x64xf32, #tpu.memory_space<vmem>>, vector<16xf32>,
        %parallel_loop3A_229 = vector.broadcast %parallel_loop3A_214 : i32 to vector<16xi32>
        %parallel_loop3A_230 = arith.addi %add3A_26, %parallel_loop3A_229 : vector<16xi32>
        tpu.vector_store_idx %arg9[%parallel_loop3A_230, %parallel_loop3A_220], %parallel_loop3A_228 : memref<256x130xf32, #tpu.memory_space<vmem>>[vector<16xi32>, vector<16xi32>], vector<16xf32>,
        %parallel_loop3A_231 = arith.index_cast %parallel_loop3A_210 : i32 to index
        %parallel_loop3A_232 = arith.constant 32 : index
        %parallel_loop3A_233 = tpu.vector_load %arg8[%parallel_loop3A_231, %parallel_loop3A_232] {strides = array<i32>} : memref<512x64xf32, #tpu.memory_space<vmem>>, vector<16xf32>,
        %parallel_loop3A_234 = vector.broadcast %parallel_loop3A_214 : i32 to vector<16xi32>
        %parallel_loop3A_235 = arith.addi %add3A_39, %parallel_loop3A_234 : vector<16xi32>
        tpu.vector_store_idx %arg9[%parallel_loop3A_235, %parallel_loop3A_220], %parallel_loop3A_233 : memref<256x130xf32, #tpu.memory_space<vmem>>[vector<16xi32>, vector<16xi32>], vector<16xf32>,
        %parallel_loop3A_236 = arith.index_cast %parallel_loop3A_210 : i32 to index
        %parallel_loop3A_237 = arith.constant 48 : index
        %parallel_loop3A_238 = tpu.vector_load %arg8[%parallel_loop3A_236, %parallel_loop3A_237] {strides = array<i32>} : memref<512x64xf32, #tpu.memory_space<vmem>>, vector<16xf32>,
        %parallel_loop3A_239 = vector.broadcast %parallel_loop3A_214 : i32 to vector<16xi32>
        %parallel_loop3A_240 = arith.addi %add3A_52, %parallel_loop3A_239 : vector<16xi32>
        tpu.vector_store_idx %arg9[%parallel_loop3A_240, %parallel_loop3A_220], %parallel_loop3A_238 : memref<256x130xf32, #tpu.memory_space<vmem>>[vector<16xi32>, vector<16xi32>], vector<16xf32>,
      } {sc.loop_unroll_factor = 16 : i64, sc.parallel_access}
      %shift_right_logical3A_150 = arith.constant 3 : i32
      %shift_right_logical3A_151 = arith.shrui %add3A_146, %shift_right_logical3A_150 : i32
      %and3A_152 = arith.constant 7 : i32
      %and3A_153 = arith.andi %add3A_146, %and3A_152 : i32
      %mul3A_154 = arith.constant 2048 : i32
      %mul3A_155 = arith.muli %shift_right_logical3A_151, %mul3A_154 : i32
      %add3A_156 = arith.constant 0 : i32
      %add3A_157 = arith.addi %mul3A_155, %add3A_156 : i32
      %mul3A_158 = arith.constant 32 : i32
      %mul3A_159 = arith.muli %and3A_153, %mul3A_158 : i32
      %add3A_160 = arith.addi %add3A_157, %mul3A_159 : i32
      "tpu.region"() ({
        %run_scoped3A = tpu.sem_alloc : memref<!tpu.dma_semaphore, #tpu.memory_space<semaphore_mem>>
        %dma_start3A_210 = arith.constant 0 : i32
        %dma_start3A_211 = arith.constant 0 : i32
        %dma_start3A_212 = tpu.memref_slice %arg9[%dma_start3A_210, %dma_start3A_211] : memref<256x130xf32, #tpu.memory_space<vmem>> -> memref<32x128xf32, #tpu.memory_space<vmem>>
        %dma_start3A_213 = arith.constant 0 : i32
        %dma_start3A_214 = tpu.memref_slice %arg4[%add3A_160, %dma_start3A_213] : memref<409600x128xf32, #tpu.memory_space<hbm>> -> memref<32x128xf32, #tpu.memory_space<hbm>>
        %dma_start3A_215 = arith.constant 0 : i32
        %dma_start3A_216 = tpu.memref_slice %arg4[%add3A_160, %dma_start3A_215] : memref<409600x128xf32, #tpu.memory_space<hbm>> -> memref<32x128xf32, #tpu.memory_space<hbm>>
        %dma_start3A_217 = arith.constant 0 : i32
        %dma_start3A_218 = arith.constant 0 : i32
        %dma_start3A_219 = tpu.memref_slice %arg9[%dma_start3A_217, %dma_start3A_218] : memref<256x130xf32, #tpu.memory_space<vmem>> -> memref<32x128xf32, #tpu.memory_space<vmem>>
        tpu.enqueue_dma source(%dma_start3A_219 : memref<32x128xf32, #tpu.memory_space<vmem>>) target(%dma_start3A_216 : memref<32x128xf32, #tpu.memory_space<hbm>>) target_semaphore(%run_scoped3A : memref<!tpu.dma_semaphore, #tpu.memory_space<semaphore_mem>>)
        %dma_wait3A_220 = arith.constant 0 : i32
        %dma_wait3A_221 = arith.constant 0 : i32
        %dma_wait3A_222 = tpu.memref_slice %arg9[%dma_wait3A_220, %dma_wait3A_221] : memref<256x130xf32, #tpu.memory_space<vmem>> -> memref<32x128xf32, #tpu.memory_space<vmem>>
        %dma_wait3A_223 = arith.constant 0 : i32
        %dma_wait3A_224 = tpu.memref_slice %arg4[%add3A_160, %dma_wait3A_223] : memref<409600x128xf32, #tpu.memory_space<hbm>> -> memref<32x128xf32, #tpu.memory_space<hbm>>
        %dma_wait3A_225 = arith.constant 0 : i32
        %dma_wait3A_226 = tpu.memref_slice %arg4[%add3A_160, %dma_wait3A_225] : memref<409600x128xf32, #tpu.memory_space<hbm>> -> memref<32x128xf32, #tpu.memory_space<hbm>>
        %dma_wait3A_227 = arith.constant 0 : i32
        %dma_wait3A_228 = arith.constant 0 : i32
        %dma_wait3A_229 = tpu.memref_slice %arg9[%dma_wait3A_227, %dma_wait3A_228] : memref<256x130xf32, #tpu.memory_space<vmem>> -> memref<32x128xf32, #tpu.memory_space<vmem>>
        tpu.wait_dma2 semaphore(%run_scoped3A : memref<!tpu.dma_semaphore, #tpu.memory_space<semaphore_mem>>) src(%dma_wait3A_229 : memref<32x128xf32, #tpu.memory_space<vmem>>) dst(%dma_wait3A_226 : memref<32x128xf32, #tpu.memory_space<hbm>>)
        tpu.yield
      }) : () -> ()
      %mul3A_161 = arith.constant 2048 : i32
      %mul3A_162 = arith.muli %shift_right_logical3A_151, %mul3A_161 : i32
      %add3A_163 = arith.constant 256 : i32
      %add3A_164 = arith.addi %mul3A_162, %add3A_163 : i32
      %mul3A_165 = arith.constant 32 : i32
      %mul3A_166 = arith.muli %and3A_153, %mul3A_165 : i32
      %add3A_167 = arith.addi %add3A_164, %mul3A_166 : i32
      "tpu.region"() ({
        %run_scoped3A = tpu.sem_alloc : memref<!tpu.dma_semaphore, #tpu.memory_space<semaphore_mem>>
        %dma_start3A_210 = arith.constant 32 : i32
        %dma_start3A_211 = arith.constant 0 : i32
        %dma_start3A_212 = tpu.memref_slice %arg9[%dma_start3A_210, %dma_start3A_211] : memref<256x130xf32, #tpu.memory_space<vmem>> -> memref<32x128xf32, #tpu.memory_space<vmem>>
        %dma_start3A_213 = arith.constant 0 : i32
        %dma_start3A_214 = tpu.memref_slice %arg4[%add3A_167, %dma_start3A_213] : memref<409600x128xf32, #tpu.memory_space<hbm>> -> memref<32x128xf32, #tpu.memory_space<hbm>>
        %dma_start3A_215 = arith.constant 0 : i32
        %dma_start3A_216 = tpu.memref_slice %arg4[%add3A_167, %dma_start3A_215] : memref<409600x128xf32, #tpu.memory_space<hbm>> -> memref<32x128xf32, #tpu.memory_space<hbm>>
        %dma_start3A_217 = arith.constant 32 : i32
        %dma_start3A_218 = arith.constant 0 : i32
        %dma_start3A_219 = tpu.memref_slice %arg9[%dma_start3A_217, %dma_start3A_218] : memref<256x130xf32, #tpu.memory_space<vmem>> -> memref<32x128xf32, #tpu.memory_space<vmem>>
        tpu.enqueue_dma source(%dma_start3A_219 : memref<32x128xf32, #tpu.memory_space<vmem>>) target(%dma_start3A_216 : memref<32x128xf32, #tpu.memory_space<hbm>>) target_semaphore(%run_scoped3A : memref<!tpu.dma_semaphore, #tpu.memory_space<semaphore_mem>>)
        %dma_wait3A_220 = arith.constant 32 : i32
        %dma_wait3A_221 = arith.constant 0 : i32
        %dma_wait3A_222 = tpu.memref_slice %arg9[%dma_wait3A_220, %dma_wait3A_221] : memref<256x130xf32, #tpu.memory_space<vmem>> -> memref<32x128xf32, #tpu.memory_space<vmem>>
        %dma_wait3A_223 = arith.constant 0 : i32
        %dma_wait3A_224 = tpu.memref_slice %arg4[%add3A_167, %dma_wait3A_223] : memref<409600x128xf32, #tpu.memory_space<hbm>> -> memref<32x128xf32, #tpu.memory_space<hbm>>
        %dma_wait3A_225 = arith.constant 0 : i32
        %dma_wait3A_226 = tpu.memref_slice %arg4[%add3A_167, %dma_wait3A_225] : memref<409600x128xf32, #tpu.memory_space<hbm>> -> memref<32x128xf32, #tpu.memory_space<hbm>>
        %dma_wait3A_227 = arith.constant 32 : i32
        %dma_wait3A_228 = arith.constant 0 : i32
        %dma_wait3A_229 = tpu.memref_slice %arg9[%dma_wait3A_227, %dma_wait3A_228] : memref<256x130xf32, #tpu.memory_space<vmem>> -> memref<32x128xf32, #tpu.memory_space<vmem>>
        tpu.wait_dma2 semaphore(%run_scoped3A : memref<!tpu.dma_semaphore, #tpu.memory_space<semaphore_mem>>) src(%dma_wait3A_229 : memref<32x128xf32, #tpu.memory_space<vmem>>) dst(%dma_wait3A_226 : memref<32x128xf32, #tpu.memory_space<hbm>>)
        tpu.yield
      }) : () -> ()
      %mul3A_168 = arith.constant 2048 : i32
      %mul3A_169 = arith.muli %shift_right_logical3A_151, %mul3A_168 : i32
      %add3A_170 = arith.constant 512 : i32
      %add3A_171 = arith.addi %mul3A_169, %add3A_170 : i32
      %mul3A_172 = arith.constant 32 : i32
      %mul3A_173 = arith.muli %and3A_153, %mul3A_172 : i32
      %add3A_174 = arith.addi %add3A_171, %mul3A_173 : i32
      "tpu.region"() ({
        %run_scoped3A = tpu.sem_alloc : memref<!tpu.dma_semaphore, #tpu.memory_space<semaphore_mem>>
        %dma_start3A_210 = arith.constant 64 : i32
        %dma_start3A_211 = arith.constant 0 : i32
        %dma_start3A_212 = tpu.memref_slice %arg9[%dma_start3A_210, %dma_start3A_211] : memref<256x130xf32, #tpu.memory_space<vmem>> -> memref<32x128xf32, #tpu.memory_space<vmem>>
        %dma_start3A_213 = arith.constant 0 : i32
        %dma_start3A_214 = tpu.memref_slice %arg4[%add3A_174, %dma_start3A_213] : memref<409600x128xf32, #tpu.memory_space<hbm>> -> memref<32x128xf32, #tpu.memory_space<hbm>>
        %dma_start3A_215 = arith.constant 0 : i32
        %dma_start3A_216 = tpu.memref_slice %arg4[%add3A_174, %dma_start3A_215] : memref<409600x128xf32, #tpu.memory_space<hbm>> -> memref<32x128xf32, #tpu.memory_space<hbm>>
        %dma_start3A_217 = arith.constant 64 : i32
        %dma_start3A_218 = arith.constant 0 : i32
        %dma_start3A_219 = tpu.memref_slice %arg9[%dma_start3A_217, %dma_start3A_218] : memref<256x130xf32, #tpu.memory_space<vmem>> -> memref<32x128xf32, #tpu.memory_space<vmem>>
        tpu.enqueue_dma source(%dma_start3A_219 : memref<32x128xf32, #tpu.memory_space<vmem>>) target(%dma_start3A_216 : memref<32x128xf32, #tpu.memory_space<hbm>>) target_semaphore(%run_scoped3A : memref<!tpu.dma_semaphore, #tpu.memory_space<semaphore_mem>>)
        %dma_wait3A_220 = arith.constant 64 : i32
        %dma_wait3A_221 = arith.constant 0 : i32
        %dma_wait3A_222 = tpu.memref_slice %arg9[%dma_wait3A_220, %dma_wait3A_221] : memref<256x130xf32, #tpu.memory_space<vmem>> -> memref<32x128xf32, #tpu.memory_space<vmem>>
        %dma_wait3A_223 = arith.constant 0 : i32
        %dma_wait3A_224 = tpu.memref_slice %arg4[%add3A_174, %dma_wait3A_223] : memref<409600x128xf32, #tpu.memory_space<hbm>> -> memref<32x128xf32, #tpu.memory_space<hbm>>
        %dma_wait3A_225 = arith.constant 0 : i32
        %dma_wait3A_226 = tpu.memref_slice %arg4[%add3A_174, %dma_wait3A_225] : memref<409600x128xf32, #tpu.memory_space<hbm>> -> memref<32x128xf32, #tpu.memory_space<hbm>>
        %dma_wait3A_227 = arith.constant 64 : i32
        %dma_wait3A_228 = arith.constant 0 : i32
        %dma_wait3A_229 = tpu.memref_slice %arg9[%dma_wait3A_227, %dma_wait3A_228] : memref<256x130xf32, #tpu.memory_space<vmem>> -> memref<32x128xf32, #tpu.memory_space<vmem>>
        tpu.wait_dma2 semaphore(%run_scoped3A : memref<!tpu.dma_semaphore, #tpu.memory_space<semaphore_mem>>) src(%dma_wait3A_229 : memref<32x128xf32, #tpu.memory_space<vmem>>) dst(%dma_wait3A_226 : memref<32x128xf32, #tpu.memory_space<hbm>>)
        tpu.yield
      }) : () -> ()
      %mul3A_175 = arith.constant 2048 : i32
      %mul3A_176 = arith.muli %shift_right_logical3A_151, %mul3A_175 : i32
      %add3A_177 = arith.constant 768 : i32
      %add3A_178 = arith.addi %mul3A_176, %add3A_177 : i32
      %mul3A_179 = arith.constant 32 : i32
      %mul3A_180 = arith.muli %and3A_153, %mul3A_179 : i32
      %add3A_181 = arith.addi %add3A_178, %mul3A_180 : i32
      "tpu.region"() ({
        %run_scoped3A = tpu.sem_alloc : memref<!tpu.dma_semaphore, #tpu.memory_space<semaphore_mem>>
        %dma_start3A_210 = arith.constant 96 : i32
        %dma_start3A_211 = arith.constant 0 : i32
        %dma_start3A_212 = tpu.memref_slice %arg9[%dma_start3A_210, %dma_start3A_211] : memref<256x130xf32, #tpu.memory_space<vmem>> -> memref<32x128xf32, #tpu.memory_space<vmem>>
        %dma_start3A_213 = arith.constant 0 : i32
        %dma_start3A_214 = tpu.memref_slice %arg4[%add3A_181, %dma_start3A_213] : memref<409600x128xf32, #tpu.memory_space<hbm>> -> memref<32x128xf32, #tpu.memory_space<hbm>>
        %dma_start3A_215 = arith.constant 0 : i32
        %dma_start3A_216 = tpu.memref_slice %arg4[%add3A_181, %dma_start3A_215] : memref<409600x128xf32, #tpu.memory_space<hbm>> -> memref<32x128xf32, #tpu.memory_space<hbm>>
        %dma_start3A_217 = arith.constant 96 : i32
        %dma_start3A_218 = arith.constant 0 : i32
        %dma_start3A_219 = tpu.memref_slice %arg9[%dma_start3A_217, %dma_start3A_218] : memref<256x130xf32, #tpu.memory_space<vmem>> -> memref<32x128xf32, #tpu.memory_space<vmem>>
        tpu.enqueue_dma source(%dma_start3A_219 : memref<32x128xf32, #tpu.memory_space<vmem>>) target(%dma_start3A_216 : memref<32x128xf32, #tpu.memory_space<hbm>>) target_semaphore(%run_scoped3A : memref<!tpu.dma_semaphore, #tpu.memory_space<semaphore_mem>>)
        %dma_wait3A_220 = arith.constant 96 : i32
        %dma_wait3A_221 = arith.constant 0 : i32
        %dma_wait3A_222 = tpu.memref_slice %arg9[%dma_wait3A_220, %dma_wait3A_221] : memref<256x130xf32, #tpu.memory_space<vmem>> -> memref<32x128xf32, #tpu.memory_space<vmem>>
        %dma_wait3A_223 = arith.constant 0 : i32
        %dma_wait3A_224 = tpu.memref_slice %arg4[%add3A_181, %dma_wait3A_223] : memref<409600x128xf32, #tpu.memory_space<hbm>> -> memref<32x128xf32, #tpu.memory_space<hbm>>
        %dma_wait3A_225 = arith.constant 0 : i32
        %dma_wait3A_226 = tpu.memref_slice %arg4[%add3A_181, %dma_wait3A_225] : memref<409600x128xf32, #tpu.memory_space<hbm>> -> memref<32x128xf32, #tpu.memory_space<hbm>>
        %dma_wait3A_227 = arith.constant 96 : i32
        %dma_wait3A_228 = arith.constant 0 : i32
        %dma_wait3A_229 = tpu.memref_slice %arg9[%dma_wait3A_227, %dma_wait3A_228] : memref<256x130xf32, #tpu.memory_space<vmem>> -> memref<32x128xf32, #tpu.memory_space<vmem>>
        tpu.wait_dma2 semaphore(%run_scoped3A : memref<!tpu.dma_semaphore, #tpu.memory_space<semaphore_mem>>) src(%dma_wait3A_229 : memref<32x128xf32, #tpu.memory_space<vmem>>) dst(%dma_wait3A_226 : memref<32x128xf32, #tpu.memory_space<hbm>>)
        tpu.yield
      }) : () -> ()
      %mul3A_182 = arith.constant 2048 : i32
      %mul3A_183 = arith.muli %shift_right_logical3A_151, %mul3A_182 : i32
      %add3A_184 = arith.constant 1024 : i32
      %add3A_185 = arith.addi %mul3A_183, %add3A_184 : i32
      %mul3A_186 = arith.constant 32 : i32
      %mul3A_187 = arith.muli %and3A_153, %mul3A_186 : i32
      %add3A_188 = arith.addi %add3A_185, %mul3A_187 : i32
      "tpu.region"() ({
        %run_scoped3A = tpu.sem_alloc : memref<!tpu.dma_semaphore, #tpu.memory_space<semaphore_mem>>
        %dma_start3A_210 = arith.constant 128 : i32
        %dma_start3A_211 = arith.constant 0 : i32
        %dma_start3A_212 = tpu.memref_slice %arg9[%dma_start3A_210, %dma_start3A_211] : memref<256x130xf32, #tpu.memory_space<vmem>> -> memref<32x128xf32, #tpu.memory_space<vmem>>
        %dma_start3A_213 = arith.constant 0 : i32
        %dma_start3A_214 = tpu.memref_slice %arg4[%add3A_188, %dma_start3A_213] : memref<409600x128xf32, #tpu.memory_space<hbm>> -> memref<32x128xf32, #tpu.memory_space<hbm>>
        %dma_start3A_215 = arith.constant 0 : i32
        %dma_start3A_216 = tpu.memref_slice %arg4[%add3A_188, %dma_start3A_215] : memref<409600x128xf32, #tpu.memory_space<hbm>> -> memref<32x128xf32, #tpu.memory_space<hbm>>
        %dma_start3A_217 = arith.constant 128 : i32
        %dma_start3A_218 = arith.constant 0 : i32
        %dma_start3A_219 = tpu.memref_slice %arg9[%dma_start3A_217, %dma_start3A_218] : memref<256x130xf32, #tpu.memory_space<vmem>> -> memref<32x128xf32, #tpu.memory_space<vmem>>
        tpu.enqueue_dma source(%dma_start3A_219 : memref<32x128xf32, #tpu.memory_space<vmem>>) target(%dma_start3A_216 : memref<32x128xf32, #tpu.memory_space<hbm>>) target_semaphore(%run_scoped3A : memref<!tpu.dma_semaphore, #tpu.memory_space<semaphore_mem>>)
        %dma_wait3A_220 = arith.constant 128 : i32
        %dma_wait3A_221 = arith.constant 0 : i32
        %dma_wait3A_222 = tpu.memref_slice %arg9[%dma_wait3A_220, %dma_wait3A_221] : memref<256x130xf32, #tpu.memory_space<vmem>> -> memref<32x128xf32, #tpu.memory_space<vmem>>
        %dma_wait3A_223 = arith.constant 0 : i32
        %dma_wait3A_224 = tpu.memref_slice %arg4[%add3A_188, %dma_wait3A_223] : memref<409600x128xf32, #tpu.memory_space<hbm>> -> memref<32x128xf32, #tpu.memory_space<hbm>>
        %dma_wait3A_225 = arith.constant 0 : i32
        %dma_wait3A_226 = tpu.memref_slice %arg4[%add3A_188, %dma_wait3A_225] : memref<409600x128xf32, #tpu.memory_space<hbm>> -> memref<32x128xf32, #tpu.memory_space<hbm>>
        %dma_wait3A_227 = arith.constant 128 : i32
        %dma_wait3A_228 = arith.constant 0 : i32
        %dma_wait3A_229 = tpu.memref_slice %arg9[%dma_wait3A_227, %dma_wait3A_228] : memref<256x130xf32, #tpu.memory_space<vmem>> -> memref<32x128xf32, #tpu.memory_space<vmem>>
        tpu.wait_dma2 semaphore(%run_scoped3A : memref<!tpu.dma_semaphore, #tpu.memory_space<semaphore_mem>>) src(%dma_wait3A_229 : memref<32x128xf32, #tpu.memory_space<vmem>>) dst(%dma_wait3A_226 : memref<32x128xf32, #tpu.memory_space<hbm>>)
        tpu.yield
      }) : () -> ()
      %mul3A_189 = arith.constant 2048 : i32
      %mul3A_190 = arith.muli %shift_right_logical3A_151, %mul3A_189 : i32
      %add3A_191 = arith.constant 1280 : i32
      %add3A_192 = arith.addi %mul3A_190, %add3A_191 : i32
      %mul3A_193 = arith.constant 32 : i32
      %mul3A_194 = arith.muli %and3A_153, %mul3A_193 : i32
      %add3A_195 = arith.addi %add3A_192, %mul3A_194 : i32
      "tpu.region"() ({
        %run_scoped3A = tpu.sem_alloc : memref<!tpu.dma_semaphore, #tpu.memory_space<semaphore_mem>>
        %dma_start3A_210 = arith.constant 160 : i32
        %dma_start3A_211 = arith.constant 0 : i32
        %dma_start3A_212 = tpu.memref_slice %arg9[%dma_start3A_210, %dma_start3A_211] : memref<256x130xf32, #tpu.memory_space<vmem>> -> memref<32x128xf32, #tpu.memory_space<vmem>>
        %dma_start3A_213 = arith.constant 0 : i32
        %dma_start3A_214 = tpu.memref_slice %arg4[%add3A_195, %dma_start3A_213] : memref<409600x128xf32, #tpu.memory_space<hbm>> -> memref<32x128xf32, #tpu.memory_space<hbm>>
        %dma_start3A_215 = arith.constant 0 : i32
        %dma_start3A_216 = tpu.memref_slice %arg4[%add3A_195, %dma_start3A_215] : memref<409600x128xf32, #tpu.memory_space<hbm>> -> memref<32x128xf32, #tpu.memory_space<hbm>>
        %dma_start3A_217 = arith.constant 160 : i32
        %dma_start3A_218 = arith.constant 0 : i32
        %dma_start3A_219 = tpu.memref_slice %arg9[%dma_start3A_217, %dma_start3A_218] : memref<256x130xf32, #tpu.memory_space<vmem>> -> memref<32x128xf32, #tpu.memory_space<vmem>>
        tpu.enqueue_dma source(%dma_start3A_219 : memref<32x128xf32, #tpu.memory_space<vmem>>) target(%dma_start3A_216 : memref<32x128xf32, #tpu.memory_space<hbm>>) target_semaphore(%run_scoped3A : memref<!tpu.dma_semaphore, #tpu.memory_space<semaphore_mem>>)
        %dma_wait3A_220 = arith.constant 160 : i32
        %dma_wait3A_221 = arith.constant 0 : i32
        %dma_wait3A_222 = tpu.memref_slice %arg9[%dma_wait3A_220, %dma_wait3A_221] : memref<256x130xf32, #tpu.memory_space<vmem>> -> memref<32x128xf32, #tpu.memory_space<vmem>>
        %dma_wait3A_223 = arith.constant 0 : i32
        %dma_wait3A_224 = tpu.memref_slice %arg4[%add3A_195, %dma_wait3A_223] : memref<409600x128xf32, #tpu.memory_space<hbm>> -> memref<32x128xf32, #tpu.memory_space<hbm>>
        %dma_wait3A_225 = arith.constant 0 : i32
        %dma_wait3A_226 = tpu.memref_slice %arg4[%add3A_195, %dma_wait3A_225] : memref<409600x128xf32, #tpu.memory_space<hbm>> -> memref<32x128xf32, #tpu.memory_space<hbm>>
        %dma_wait3A_227 = arith.constant 160 : i32
        %dma_wait3A_228 = arith.constant 0 : i32
        %dma_wait3A_229 = tpu.memref_slice %arg9[%dma_wait3A_227, %dma_wait3A_228] : memref<256x130xf32, #tpu.memory_space<vmem>> -> memref<32x128xf32, #tpu.memory_space<vmem>>
        tpu.wait_dma2 semaphore(%run_scoped3A : memref<!tpu.dma_semaphore, #tpu.memory_space<semaphore_mem>>) src(%dma_wait3A_229 : memref<32x128xf32, #tpu.memory_space<vmem>>) dst(%dma_wait3A_226 : memref<32x128xf32, #tpu.memory_space<hbm>>)
        tpu.yield
      }) : () -> ()
      %mul3A_196 = arith.constant 2048 : i32
      %mul3A_197 = arith.muli %shift_right_logical3A_151, %mul3A_196 : i32
      %add3A_198 = arith.constant 1536 : i32
      %add3A_199 = arith.addi %mul3A_197, %add3A_198 : i32
      %mul3A_200 = arith.constant 32 : i32
      %mul3A_201 = arith.muli %and3A_153, %mul3A_200 : i32
      %add3A_202 = arith.addi %add3A_199, %mul3A_201 : i32
      "tpu.region"() ({
        %run_scoped3A = tpu.sem_alloc : memref<!tpu.dma_semaphore, #tpu.memory_space<semaphore_mem>>
        %dma_start3A_210 = arith.constant 192 : i32
        %dma_start3A_211 = arith.constant 0 : i32
        %dma_start3A_212 = tpu.memref_slice %arg9[%dma_start3A_210, %dma_start3A_211] : memref<256x130xf32, #tpu.memory_space<vmem>> -> memref<32x128xf32, #tpu.memory_space<vmem>>
        %dma_start3A_213 = arith.constant 0 : i32
        %dma_start3A_214 = tpu.memref_slice %arg4[%add3A_202, %dma_start3A_213] : memref<409600x128xf32, #tpu.memory_space<hbm>> -> memref<32x128xf32, #tpu.memory_space<hbm>>
        %dma_start3A_215 = arith.constant 0 : i32
        %dma_start3A_216 = tpu.memref_slice %arg4[%add3A_202, %dma_start3A_215] : memref<409600x128xf32, #tpu.memory_space<hbm>> -> memref<32x128xf32, #tpu.memory_space<hbm>>
        %dma_start3A_217 = arith.constant 192 : i32
        %dma_start3A_218 = arith.constant 0 : i32
        %dma_start3A_219 = tpu.memref_slice %arg9[%dma_start3A_217, %dma_start3A_218] : memref<256x130xf32, #tpu.memory_space<vmem>> -> memref<32x128xf32, #tpu.memory_space<vmem>>
        tpu.enqueue_dma source(%dma_start3A_219 : memref<32x128xf32, #tpu.memory_space<vmem>>) target(%dma_start3A_216 : memref<32x128xf32, #tpu.memory_space<hbm>>) target_semaphore(%run_scoped3A : memref<!tpu.dma_semaphore, #tpu.memory_space<semaphore_mem>>)
        %dma_wait3A_220 = arith.constant 192 : i32
        %dma_wait3A_221 = arith.constant 0 : i32
        %dma_wait3A_222 = tpu.memref_slice %arg9[%dma_wait3A_220, %dma_wait3A_221] : memref<256x130xf32, #tpu.memory_space<vmem>> -> memref<32x128xf32, #tpu.memory_space<vmem>>
        %dma_wait3A_223 = arith.constant 0 : i32
        %dma_wait3A_224 = tpu.memref_slice %arg4[%add3A_202, %dma_wait3A_223] : memref<409600x128xf32, #tpu.memory_space<hbm>> -> memref<32x128xf32, #tpu.memory_space<hbm>>
        %dma_wait3A_225 = arith.constant 0 : i32
        %dma_wait3A_226 = tpu.memref_slice %arg4[%add3A_202, %dma_wait3A_225] : memref<409600x128xf32, #tpu.memory_space<hbm>> -> memref<32x128xf32, #tpu.memory_space<hbm>>
        %dma_wait3A_227 = arith.constant 192 : i32
        %dma_wait3A_228 = arith.constant 0 : i32
        %dma_wait3A_229 = tpu.memref_slice %arg9[%dma_wait3A_227, %dma_wait3A_228] : memref<256x130xf32, #tpu.memory_space<vmem>> -> memref<32x128xf32, #tpu.memory_space<vmem>>
        tpu.wait_dma2 semaphore(%run_scoped3A : memref<!tpu.dma_semaphore, #tpu.memory_space<semaphore_mem>>) src(%dma_wait3A_229 : memref<32x128xf32, #tpu.memory_space<vmem>>) dst(%dma_wait3A_226 : memref<32x128xf32, #tpu.memory_space<hbm>>)
        tpu.yield
      }) : () -> ()
      %mul3A_203 = arith.constant 2048 : i32
      %mul3A_204 = arith.muli %shift_right_logical3A_151, %mul3A_203 : i32
      %add3A_205 = arith.constant 1792 : i32
      %add3A_206 = arith.addi %mul3A_204, %add3A_205 : i32
      %mul3A_207 = arith.constant 32 : i32
      %mul3A_208 = arith.muli %and3A_153, %mul3A_207 : i32
      %add3A_209 = arith.addi %add3A_206, %mul3A_208 : i32
      "tpu.region"() ({
        %run_scoped3A = tpu.sem_alloc : memref<!tpu.dma_semaphore, #tpu.memory_space<semaphore_mem>>
        %dma_start3A_210 = arith.constant 224 : i32
        %dma_start3A_211 = arith.constant 0 : i32
        %dma_start3A_212 = tpu.memref_slice %arg9[%dma_start3A_210, %dma_start3A_211] : memref<256x130xf32, #tpu.memory_space<vmem>> -> memref<32x128xf32, #tpu.memory_space<vmem>>
        %dma_start3A_213 = arith.constant 0 : i32
        %dma_start3A_214 = tpu.memref_slice %arg4[%add3A_209, %dma_start3A_213] : memref<409600x128xf32, #tpu.memory_space<hbm>> -> memref<32x128xf32, #tpu.memory_space<hbm>>
        %dma_start3A_215 = arith.constant 0 : i32
        %dma_start3A_216 = tpu.memref_slice %arg4[%add3A_209, %dma_start3A_215] : memref<409600x128xf32, #tpu.memory_space<hbm>> -> memref<32x128xf32, #tpu.memory_space<hbm>>
        %dma_start3A_217 = arith.constant 224 : i32
        %dma_start3A_218 = arith.constant 0 : i32
        %dma_start3A_219 = tpu.memref_slice %arg9[%dma_start3A_217, %dma_start3A_218] : memref<256x130xf32, #tpu.memory_space<vmem>> -> memref<32x128xf32, #tpu.memory_space<vmem>>
        tpu.enqueue_dma source(%dma_start3A_219 : memref<32x128xf32, #tpu.memory_space<vmem>>) target(%dma_start3A_216 : memref<32x128xf32, #tpu.memory_space<hbm>>) target_semaphore(%run_scoped3A : memref<!tpu.dma_semaphore, #tpu.memory_space<semaphore_mem>>)
        %dma_wait3A_220 = arith.constant 224 : i32
        %dma_wait3A_221 = arith.constant 0 : i32
        %dma_wait3A_222 = tpu.memref_slice %arg9[%dma_wait3A_220, %dma_wait3A_221] : memref<256x130xf32, #tpu.memory_space<vmem>> -> memref<32x128xf32, #tpu.memory_space<vmem>>
        %dma_wait3A_223 = arith.constant 0 : i32
        %dma_wait3A_224 = tpu.memref_slice %arg4[%add3A_209, %dma_wait3A_223] : memref<409600x128xf32, #tpu.memory_space<hbm>> -> memref<32x128xf32, #tpu.memory_space<hbm>>
        %dma_wait3A_225 = arith.constant 0 : i32
        %dma_wait3A_226 = tpu.memref_slice %arg4[%add3A_209, %dma_wait3A_225] : memref<409600x128xf32, #tpu.memory_space<hbm>> -> memref<32x128xf32, #tpu.memory_space<hbm>>
        %dma_wait3A_227 = arith.constant 224 : i32
        %dma_wait3A_228 = arith.constant 0 : i32
        %dma_wait3A_229 = tpu.memref_slice %arg9[%dma_wait3A_227, %dma_wait3A_228] : memref<256x130xf32, #tpu.memory_space<vmem>> -> memref<32x128xf32, #tpu.memory_space<vmem>>
        tpu.wait_dma2 semaphore(%run_scoped3A : memref<!tpu.dma_semaphore, #tpu.memory_space<semaphore_mem>>) src(%dma_wait3A_229 : memref<32x128xf32, #tpu.memory_space<vmem>>) dst(%dma_wait3A_226 : memref<32x128xf32, #tpu.memory_space<hbm>>)
        tpu.yield
      }) : () -> ()
    }
    %scan3A_61 = arith.constant 25 : i32
    return
  }
}

</mosaic_0001>

<sc_bundles>
// kernel: kernel.3.cloned.1.call-start
scs
__scs_entry_jumppad:
0x0: {  	(pc) =	sbr.rel $0x88, $3  }
0x1: {  	(tag) =	ssettag $0x0;
	lr =	simm.s32 $0x1  }
0x2: {  	[smem:$0x3F9F] =	sst lr;
	_ =	strace $0xD0000000  }
0x3: {  	_ = 	snop  }
0x4: {  	_ = 	snop  }
0x5: {  	_ = 	snop  }
0x6: {  	_ = 	snop  }
0x7: {  	_ = 	snop  }
__scs_overlays_trampoline_lowered:
0x8: {  	[smem:$0x3FAE] =	sst s0  }
0x9: {  	[smem:$0x3FAF] =	sst s1  }
0xa: {  	[smem:$0x3FB0] =	sst s2  }
0xb: {  	[smem:$0x3FB1] =	sst s3  }
0xc: {  	[smem:$0x3FB2] =	sst s4  }
0xd: {  	[smem:$0x3FB3] =	sst s5  }
0xe: {  	[smem:$0x3FB4] =	sst s6  }
0xf: {  	[smem:$0x3FB5] =	sst s7  }
0x10: {  	[smem:$0x3FB6] =	sst s8  }
0x11: {  	[smem:$0x3FB7] =	sst s9;
	s0 =	simm.s32 @!p0 $0x0  }
0x12: {  	s1 =	sld [smem:$0x3F9D];
	s0 =	simm.s32 @p0 $0x1  }
0x13: {  	[smem:$0x3FB8] =	sst s0;
	s0 =	simm.s32 @!p1 $0x0  }
0x14: {  	s2 =	sld [smem:$0x3F9C];
	s0 =	simm.s32 @p1 $0x1  }
0x15: {  	[smem:$0x3FB9] =	sst s0;
	s0 =	simm.s32 @!p2 $0x0  }
0x16: {  	s3 =	sld [smem:$0x3FDB];
	s0 =	simm.s32 @p2 $0x1  }
0x17: {  	s4 =	simm.s32 $0x1BF5;
	[smem:$0x3FBB] =	sst s0  }
0x18: {  	s0 =	sld [smem:$0x3F9E];
	_ =	swait.ge [sflag:s4], $0x0  }
0x19: {  	s7 =	sld [smem:$0x3F9F]  }
0x1a: {  	s8 =	sadd.s32 $0xFFFFE003, lr  }
0x1b: {  	s9 =	sadd.s32 $0xFFFFFEF7, lr;
	s5 =	simm.s32 $0xFFFFFFFF;
	p2 =	slt.u32 s8, $0xFFFFF086  }
0x1c: {  	p1 =	slt.u32 s9, $0xF7A;
	s5 =	simm.s32 @!p2 $0x0  }
0x1d: {  	s5 =	simm.s32 @p1 $0x1;
	p0 =	seq.s32 s7, s2  }
0x1e: {  	s7 =	smul.u32 @!p0 $0xF7A, s2;
	p2 =	seq.s32 @!p0 s5, $0x0  }
0x1f: {  	s9 =	smul.u32 $0xF7A, s1;
	s8 =	simm.s32 @!p0 $0x1BF5;
	p2 =	por !p2, p0  }
0x20: {  	[sflag:s8] =	ssyncset.s32 @!p0 $0xFFFFF086;
	s6 =	sadd.s32 @!p0 s3, s7;
	s7 =	simm.s32 @!p0 $0x108  }
0x21: {  	s3 =	sadd.s32 s3, s9;
	s6 =	sadd.s32 @!p0 $0x88, s6;
	s7 =	simm.s32 @p2 $0x1082  }
0x22: {  	[simem:s7], [sflag:s8] =	dma.local @!p0 [hbm:s6], $0xF7A  }
0x23: {  	s9 =	sor.u32 $0xD0000000, s2;
	s6 =	simm.s32 $0x108;
	_ =	swait.ge @!p0 [sflag:s8], $0x0  }
0x24: {  	s3 =	sadd.s32 $0x88, s3;
	s6 =	simm.s32 @!p1 $0x1082;
	[sflag:s4] =	ssyncset.s32 $0xFFFFF086  }
0x25: {  	[simem:s6], [sflag:s4] =	dma.local [hbm:s3], $0xF7A  }
0x26: {  	[smem:$0x3F9F] =	sst s1;
	(tag) =	ssettag s2;
	_ =	strace s9  }
0x27: {  	s1 =	sld [smem:$0x3FAF]  }
0x28: {  	s2 =	sld [smem:$0x3FB0]  }
0x29: {  	s4 =	sld [smem:$0x3FB2]  }
0x2a: {  	p0 =	seq.s32 s5, $0x0;
	s5 =	sld [smem:$0x3FB3]  }
0x2b: {  	s6 =	sld [smem:$0x3FB4]  }
0x2c: {  	s7 =	sld [smem:$0x3FB5]  }
0x2d: {  	s3 =	simm.s32 $0x108;
	s8 =	sld [smem:$0x3FB6]  }
0x2e: {  	s3 =	simm.s32 @!p0 $0x1082;
	s9 =	sld [smem:$0x3FB7]  }
0x2f: {  	lr =	sadd.s32 s0, s3;
	s0 =	sld [smem:$0x3FAE]  }
0x30: {  	s3 =	sld [smem:$0x3FB1]  }
0x31: {  	[smem:$0x3FBA] =	sst s10  }
0x32: {  	s10 =	sld [smem:$0x3FB8];
	_ =	sdelay $0x3  }
0x33: {  	p0 =	seq.s32 s10, $0x1;
	s10 =	sld [smem:$0x3FBA];
	_ =	sdelay $0x3  }
0x34: {  	[smem:$0x3FBA] =	sst s10  }
0x35: {  	s10 =	sld [smem:$0x3FB9];
	_ =	sdelay $0x3  }
0x36: {  	p1 =	seq.s32 s10, $0x1;
	s10 =	sld [smem:$0x3FBA];
	_ =	sdelay $0x3  }
0x37: {  	[smem:$0x3FBA] =	sst s10  }
0x38: {  	s10 =	sld [smem:$0x3FBB]  }
0x39: {  	_ = 	snop;
	(pc) =	sbr.ind lr, $3  }
0x3a: {  	_ = 	snop  }
0x3b: {  	_ = 	snop  }
0x3c: {  	p2 =	seq.s32 s10, $0x1;
	s10 =	sld [smem:$0x3FBA]  }
0x3d: {  	_ =	shalt  }
0x3e: {  	_ =	shalt  }
0x3f: {  	_ =	shalt  }
0x40: {  	_ =	shalt  }
0x41: {  	_ =	shalt  }
0x42: {  	_ =	shalt  }
0x43: {  	_ =	shalt  }
0x44: {  	_ =	shalt  }
0x45: {  	_ =	shalt  }
0x46: {  	_ =	shalt  }
0x47: {  	_ =	shalt  }
0x48: {  	_ =	shalt  }
0x49: {  	_ =	shalt  }
0x4a: {  	_ =	shalt  }
0x4b: {  	_ =	shalt  }
0x4c: {  	_ =	shalt  }
0x4d: {  	_ =	shalt  }
0x4e: {  	_ =	shalt  }
0x4f: {  	_ =	shalt  }
0x50: {  	_ =	shalt  }
0x51: {  	_ =	shalt  }
0x52: {  	_ =	shalt  }
0x53: {  	_ =	shalt  }
0x54: {  	_ =	shalt  }
0x55: {  	_ =	shalt  }
0x56: {  	_ =	shalt  }
0x57: {  	_ =	shalt  }
0x58: {  	_ =	shalt  }
0x59: {  	_ =	shalt  }
0x5a: {  	_ =	shalt  }
0x5b: {  	_ =	shalt  }
0x5c: {  	_ =	shalt  }
0x5d: {  	_ =	shalt  }
0x5e: {  	_ =	shalt  }
0x5f: {  	_ =	shalt  }
0x60: {  	_ =	shalt  }
0x61: {  	_ =	shalt  }
0x62: {  	_ =	shalt  }
0x63: {  	_ =	shalt  }
0x64: {  	_ =	shalt  }
0x65: {  	_ =	shalt  }
0x66: {  	_ =	shalt  }
0x67: {  	_ =	shalt  }
0x68: {  	_ =	shalt  }
0x69: {  	_ =	shalt  }
0x6a: {  	_ =	shalt  }
0x6b: {  	_ =	shalt  }
0x6c: {  	_ =	shalt  }
0x6d: {  	_ =	shalt  }
0x6e: {  	_ =	shalt  }
0x6f: {  	_ =	shalt  }
0x70: {  	_ =	shalt  }
0x71: {  	_ =	shalt  }
0x72: {  	_ =	shalt  }
0x73: {  	_ =	shalt  }
0x74: {  	_ =	shalt  }
0x75: {  	_ =	shalt  }
0x76: {  	_ =	shalt  }
0x77: {  	_ =	shalt  }
0x78: {  	_ =	shalt  }
0x79: {  	_ =	shalt  }
0x7a: {  	_ =	shalt  }
0x7b: {  	_ =	shalt  }
0x7c: {  	_ =	shalt  }
0x7d: {  	_ =	shalt  }
0x7e: {  	_ =	shalt  }
0x7f: {  	_ =	shalt  }
0x80: {  	_ =	shalt  }
0x81: {  	_ =	shalt  }
0x82: {  	_ =	shalt  }
0x83: {  	_ =	shalt  }
0x84: {  	_ =	shalt  }
0x85: {  	_ =	shalt  }
0x86: {  	_ =	shalt  }
0x87: {  	_ =	shalt  }
.Lfunc_end0:
.L_simem_size_0:
called_computation_lowered:
.L_overlay_start_0:
0x88: {  	s2 =	sld [smem:$0x3FD9]  }
0x89: {  	s3 =	sld [smem:$0x3FFE];
	_ =	sdelay $0x1  }
0x8a: {  	s1 =	srdreg.scid  }
0x8b: {  	s0 =	sand.u32 $0x1, s1  }
0x8c: {  	s17 =	sshll.u32 s0, $0xA;
	s2 =	sadd.s32 s3, s2  }
0x8d: {  	s2 =	sadd.s32 s2, s17  }
0x8e: {  	[smem:$0x3FC6] =	sst s2  }
0x8f: {  	_ = 	snop  }
0x90: {  	s2 =	sld [smem:$0x3FD0];
	(tm) =	ssettm $0x1  }
0x91: {  	s18 =	sld [smem:$0x3FFB];
	_ =	sdelay $0x3  }
0x92: {  	_ =	strace s18  }
0x93: {  	s3 =	sld [smem:$0x3FFC];
	_ =	sdelay $0x3  }
0x94: {  	_ =	strace s3  }
0x95: {  	s3 =	sld [smem:$0x3FFD];
	_ =	sdelay $0x3  }
0x96: {  	_ =	strace s3  }
0x97: {  	_ =	strace $0x8FFFFFFF  }
0x98: {  	s19 =	sld [smem:$0x3FDB];
	_ =	sdelay $0x1  }
0x99: {  	s4 =	simm.s32 $_scs_section_size  }
0x9a: {  	s5 =	simm.s32 $_size__tile_overlayer_lowered;
	s6 =	simm.s32 $_tile_overlayer_lowered  }
0x9b: {  	s22 =	simm.s32 $0x1BFF;
	s21 =	sshll.u32 s6, $0x1;
	s3 =	sadd.s32 s4, s19  }
0x9c: {  	s7 =	simm.s32 $0x0;
	s20 =	sshll.u32 s5, $0x1;
	s5 =	sadd.s32 s21, s3  }
0x9d: {  	[timem:s7], [sflag:s22] =	dma.local [hbm:s5], s20  }
0x9e: {  	_ =	swait.ge [sflag:s22], s20  }
0x9f: {  	s4 =	ssub.s32 $0x0, s20;
	[sflag:s22] =	ssyncset.done $0x0  }
0xa0: {  	[sflag:s22] =	ssyncadd.s32 s4;
	_ =	sdelay $0x1  }
0xa1: {  	s23 =	simm.s32 $0x1B8B  }
0xa2: {  	_ =	swait.ge [sflag:s23], $0x1  }
0xa3: {  	[sflag:s23] =	ssyncset.done $0x0  }
0xa4: {  	s25 =	simm.s32 $0x1B8E;
	s24 =	sld [smem:$0x3FFE];
	[sflag:s23] =	ssyncadd.s32 $0xFFFFFFFF  }
0xa5: {  	s26 =	simm.s32 $execute0_lowered;
	[smem:$0x3FD2] =	sst s25  }
0xa6: {  	s5 =	sshll.u32 s26, $0x1;
	_ =	strace $0x80000046;
	[dreg:$0x1] =	wrdreg $0xFFFFFFFF  }
0xa7: {  	s28 =	simm.s32 $_size_execute0_lowered;
	s3 =	sadd.s32 s3, s5;
	[dreg:$0x0] =	wrdreg $0x0  }
0xa8: {  	s5 =	sshll.u32 s28, $0x1;
	[dreg:$0x2] =	wrdreg s3  }
0xa9: {  	[dreg:$0x3] =	wrdreg s5  }
0xaa: {  	[dreg:$0x4] =	wrdreg $0xC0  }
0xab: {  	_ =	task [dreg:s7], $0x5FFFF  }
0xac: {  	[dreg:$0x1] =	wrdreg $0xFFFFFFFF  }
0xad: {  	[dreg:$0x0] =	wrdreg $0x60  }
0xae: {  	[dreg:$0x2] =	wrdreg s24  }
0xaf: {  	[dreg:$0x3] =	wrdreg s2  }
0xb0: {  	[dreg:$0x4] =	wrdreg $0x9  }
0xb1: {  	_ =	task.clear_ibuf [dreg:s7], $0x5FFFF;
	_ =	strace $0x90000046  }
0xb2: {  	s29 =	simm.s32 $0x9;
	_ =	strace $0x80000048  }
0xb3: {  	_ =	swait.ge [sflag:s29], $0x1  }
0xb4: {  	[sflag:s29] =	ssyncadd.s32 $0xFFFFFFFF  }
0xb5: {  	_ =	strace $0x90000048  }
0xb6: {  	_ =	sfence  }
0xb7: {  	s30 =	sld [smem:$0x0];
	_ =	sdelay $0x2  }
0xb8: {  	s31 =	sshll.u32 s1, $0xD;
	s1 =	sshrl.u32 s1, $0x2  }
0xb9: {  	s3 =	sand.u32 $0x4000, s31;
	s1 =	sadd.s32 s1, s30  }
0xba: {  	s0 =	sor.u32 s3, s0;
	s1 =	sshll.u32 s1, $0x11  }
0xbb: {  	s0 =	sor.u32 s1, s0  }
0xbc: {  	s0 =	sadd.s32 $0x8F2B, s0  }
0xbd: {  	[sflag:s0] =	ssyncadd.remote.s32 $0x1  }
0xbe: {  	_ =	sfence.sel $0xFFFF  }
0xbf: {  	[dreg:$0x0] =	wrdreg $0xFFFFFFFF;
	(pc) =	sbr.abs _section_cstart, $3  }
0xc0: {  	[dreg:$0x1] =	wrdreg $0xFFFFFFFF  }
0xc1: {  	_ =	task.clear_ibuf [dreg:s7], $0x2FFFF;
	_ =	strace $0x9FFFFFFF  }
0xc2: {  	(tm) =	ssettm $0x7FFFFFFF  }
0xc3: {  	_ =	shalt  }
tec
execute0_lowered:
.L_overlay_start_1:
0x0: {  	(tag) =	ssettag $0x1  }
0x1: {  	v0 =	vimm.s32 $0x14B8;
	vm14 =	vcmask $0x300;
	vm13 =	vcmask $0x704  }
0x2: {  	vm12 =	vcmask $0xB08;
	vm11 =	vcmask $0xF0C;
	vm10 =	vcmask $0x1310  }
0x3: {  	vm9 =	vcmask $0x1714;
	vm8 =	vcmask $0x1B18;
	vm7 =	vcmask $0x1F1C  }
0x4: {  	vm6 =	vcmask $0x2320;
	vm5 =	vcmask $0x2724;
	vm4 =	vcmask $0x2B28  }
0x5: {  	vm3 =	vcmask $0x2F2C;
	vm2 =	vcmask $0x3330;
	vm1 =	vcmask $0x3734  }
0x6: {  	vm0 =	vcmask $0x3B38;
	v1 =	vimm.s32 $0x0;
	v2 =	vimm.s32 $0x36B8  }
0x7: {  	v3 =	vimm.s32 $0x58B8;
	v4 =	vimm.s32 $0x7AB8;
	v0 =	vsel vm14, $0x0, v0  }
0x8: {  	v1 =	vsel vm14, $0x3, v1;
	v2 =	vsel vm14, $0x2200, v2;
	v3 =	vsel vm14, $0x4400, v3  }
0x9: {  	v4 =	vsel vm14, $0x6600, v4;
	v0 =	vsel vm13, $0x88, v0;
	v2 =	vsel vm13, $0x2288, v2  }
0xa: {  	v3 =	vsel vm13, $0x4488, v3;
	v4 =	vsel vm13, $0x6688, v4;
	v0 =	vsel vm12, $0x110, v0  }
0xb: {  	v2 =	vsel vm12, $0x2310, v2;
	v3 =	vsel vm12, $0x4510, v3;
	v4 =	vsel vm12, $0x6710, v4  }
0xc: {  	v0 =	vsel vm11, $0x198, v0;
	v2 =	vsel vm11, $0x2398, v2;
	v3 =	vsel vm11, $0x4598, v3  }
0xd: {  	v4 =	vsel vm11, $0x6798, v4;
	v0 =	vsel vm10, $0x220, v0;
	v2 =	vsel vm10, $0x2420, v2  }
0xe: {  	v3 =	vsel vm10, $0x4620, v3;
	v4 =	vsel vm10, $0x6820, v4;
	v0 =	vsel vm9, $0x2A8, v0  }
0xf: {  	s0 =	rddreg [dreg:$0x0];
	v2 =	vsel vm9, $0x24A8, v2;
	v3 =	vsel vm9, $0x46A8, v3;
	v4 =	vsel vm9, $0x68A8, v4  }
0x10: {  	s21 =	rddreg [dreg:$0x1];
	s3 =	simm.s32 $0x0;
	v0 =	vsel vm8, $0x330, v0;
	v2 =	vsel vm8, $0x2530, v2;
	v3 =	vsel vm8, $0x4730, v3  }
0x11: {  	s2 =	srdreg.scid;
	s1 =	stileid.u32;
	s17 =	simm.s32 $0x3;
	v4 =	vsel vm8, $0x6930, v4;
	v0 =	vsel vm7, $0x3B8, v0;
	v2 =	vsel vm7, $0x25B8, v2  }
0x12: {  	s22 =	simm.s32 $0x10400;
	[smem:$0x7FF] =	sst s3;
	s2 =	sand.u32 $0x1, s2;
	v3 =	vsel vm7, $0x47B8, v3;
	v4 =	vsel vm7, $0x69B8, v4;
	v0 =	vsel vm6, $0x1100, v0  }
0x13: {  	s4 =	sshll.u32 s1, $0x1;
	s30 =	sadd.s32 $0x600, s0;
	s9 =	sadd.s32 $0x2000, s21;
	v2 =	vsel vm6, $0x3300, v2;
	v3 =	vsel vm6, $0x5500, v3;
	v4 =	vsel vm6, $0x7700, v4  }
0x14: {  	s10 =	sadd.s32 $0x3000, s21;
	s11 =	sadd.s32 $0x4000, s21;
	s12 =	sadd.s32 $0x5000, s21;
	v0 =	vsel vm5, $0x1188, v0;
	v2 =	vsel vm5, $0x3388, v2;
	v3 =	vsel vm5, $0x5588, v3  }
0x15: {  	_ =	strace $0x80000047;
	s6 =	ssub.s32 $0x2, s2;
	s2 =	sor.u32 s2, s4;
	v4 =	vsel vm5, $0x7788, v4;
	v0 =	vsel vm4, $0x1210, v0;
	v2 =	vsel vm4, $0x3410, v2  }
0x16: {  	s23 =	simm.s32 $0x2;
	s4 =	sadd.s32 $0xF42A00, s0;
	s8 =	smul.u32 $0xC80, s2;
	v3 =	vsel vm4, $0x5610, v3;
	v4 =	vsel vm4, $0x7810, v4;
	v0 =	vsel vm3, $0x1298, v0  }
0x17: {  	[dreg:$0x3] =	wrdreg s30;
	s0 =	sadd.s32 $0x680, s0;
	s2 =	smul.u32 $0x32, s2;
	v2 =	vsel vm3, $0x3498, v2;
	v3 =	vsel vm3, $0x5698, v3;
	v4 =	vsel vm3, $0x7898, v4  }
0x18: {  	s13 =	sadd.s32 $0x6000, s21;
	s7 =	sshrl.u32 s6, $0x1;
	[dreg:$0x6] =	wrdreg s0;
	v0 =	vsel vm2, $0x1320, v0;
	v2 =	vsel vm2, $0x3520, v2;
	v3 =	vsel vm2, $0x5720, v3  }
0x19: {  	s7 =	ssub.s32 s6, s7;
	[dreg:$0x4] =	wrdreg s2;
	s1 =	sadd.s32 s30, s8;
	v4 =	vsel vm2, $0x7920, v4;
	v0 =	vsel vm1, $0x13A8, v0;
	v2 =	vsel vm1, $0x35A8, v2  }
0x1a: {  	s14 =	sadd.s32 $0x7000, s21;
	s31 =	smax.u32 s7, $0x1;
	[dreg:$0x5] =	wrdreg s1;
	v3 =	vsel vm1, $0x57A8, v3;
	v4 =	vsel vm1, $0x79A8, v4;
	v0 =	vsel vm0, $0x1430, v0  }
0x1b: {  	s8 =	sadd.s32 $0x1000, s21;
	[dreg:$0x7] =	wrdreg s31;
	s1 =	simm.s32 $0x0;
	v2 =	vsel vm0, $0x3630, v2;
	v3 =	vsel vm0, $0x5830, v3;
	v4 =	vsel vm0, $0x7A30, v4  }
.LBB2_1:
0x1c: {  	[dreg:$0x8] =	wrdreg s1  }
0x1d: {  	s0 =	rddreg [dreg:$0x5]  }
0x1e: {  	[tilespmem:s3], [sflag:$0x3] =	stream.linear.gather [hbm4b:s0+s3], $0x200, $0x38;
	[tilespmem:$0x18C00] =	vst v63  }
0x1f: {  	_ =	swait.ge [sflag:s17], $0x200  }
0x20: {  	s30 =	simm.s32 $0x200;
	[sflag:s17] =	ssyncset.done $0x0  }
0x21: {  	s31 =	simm.s32 $0x400;
	s25 =	simm.s32 $0x0;
	[sflag:s17] =	ssyncadd.s32 $0xFFFFFE00  }
0x22: {  	[tilespmem:s31], [sflag:$0x1] =	stream.indirect.gather [hbm4b:s4+s30], $0x40, s3, s30, $0xb8;
	[tilespmem:$0x18C00] =	vst v63  }
.LBB2_2:
0x23: {  	s29 =	simm.s32 $0x0;
	s0 =	simm.s32 $0x8  }
0x24: {  	s2 =	simm.s32 $0x1;
	s7 =	simm.s32 $0x2;
	s19 =	simm.s32 $0x3  }
0x25: {  	s26 =	simm.s32 $0x4;
	s28 =	simm.s32 $0x5;
	s30 =	simm.s32 $0x6  }
0x26: {  	s16 =	simm.s32 $0x7;
	s24 =	simm.s32 $0x9;
	s20 =	simm.s32 $0xA  }
0x27: {  	s6 =	simm.s32 $0xC;
	s31 =	sand.u32 $0x70, s29;
	s0 =	sand.u32 $0x78, s0  }
0x28: {  	s2 =	sand.u32 $0x70, s2;
	s7 =	sand.u32 $0x70, s7;
	s19 =	sand.u32 $0x70, s19;
	v5 =	vmov s31  }
0x29: {  	s26 =	sand.u32 $0x70, s26;
	s15 =	sand.u32 $0x70, s28;
	s18 =	sand.u32 $0x70, s30;
	v6 =	vmov s0;
	v7 =	vmov s2;
	v8 =	vmov s7  }
0x2a: {  	s28 =	simm.s32 $0xB;
	s1 =	sand.u32 $0x70, s16;
	s5 =	sand.u32 $0x78, s24;
	v9 =	vmov s19;
	v10 =	vmov s26;
	v11 =	vmov s15  }
0x2b: {  	s24 =	sand.u32 $0x78, s6;
	v12 =	vmov s18;
	v13 =	vmov s1;
	s15 =	sand.u32 $0x78, s20;
	s18 =	sand.u32 $0x78, s28;
	v14 =	vmov s5  }
0x2c: {  	v17 =	vmov s24;
	v15 =	vmov s15;
	v16 =	vmov s18  }
0x2d: {  	v5 =	vshrl.u32 v5, $0x3;
	v6 =	vshrl.u32 v6, $0x3;
	v7 =	vshrl.u32 v7, $0x3  }
0x2e: {  	s20 =	simm.s32 $0xD;
	v8 =	vshrl.u32 v8, $0x3;
	v9 =	vshrl.u32 v9, $0x3;
	v10 =	vshrl.u32 v10, $0x3  }
0x2f: {  	s1 =	simm.s32 $0xE;
	s26 =	sand.u32 $0x78, s20;
	v11 =	vshrl.u32 v11, $0x3;
	v12 =	vshrl.u32 v12, $0x3;
	v13 =	vshrl.u32 v13, $0x3  }
0x30: {  	s2 =	sand.u32 $0x78, s1;
	v14 =	vshrl.u32 v14, $0x3;
	v17 =	vshrl.u32 v17, $0x3;
	v18 =	vmov s26  }
0x31: {  	s5 =	sshll.u32 s25, $0x1;
	s1 =	rddreg [dreg:$0x4];
	v19 =	vmov s2;
	v5 =	vshll.u32 v5, v1;
	v7 =	vshll.u32 v7, v1  }
0x32: {  	s28 =	sadd.s32 s1, s5;
	v20 =	vshll.u32 v6, v1;
	v6 =	vshrl.u32 v15, $0x3;
	v8 =	vshll.u32 v8, v1  }
0x33: {  	v9 =	vshll.u32 v9, v1;
	v15 =	vshrl.u32 v16, $0x3;
	v16 =	vshll.u32 v10, v1;
	s26 =	sor.u32 $0x1, s28  }
0x34: {  	s7 =	rddreg [dreg:$0x3];
	v21 =	vshll.u32 v11, v1;
	v12 =	vshll.u32 v12, v1;
	v22 =	vshll.u32 v13, v1;
	s6 =	sshll.u32 s26, $0x6  }
0x35: {  	s31 =	simm.s32 $0x0;
	s15 =	simm.s32 $0x200;
	v23 =	vshll.u32 v14, v1;
	v18 =	vshrl.u32 v18, $0x3;
	v25 =	vshll.u32 v6, v1;
	s0 =	sand.u32 $0x1FFFFFC0, s6  }
0x36: {  	s16 =	sand.u32 $0x18, s31;
	s18 =	simm.s32 $0xF;
	v6 =	vbroadcast v5, $0x0;
	v5 =	vbroadcast v20, $0x0;
	v26 =	vshll.u32 v15, v1;
	s0 =	sadd.s32 s7, s0  }
0x37: {  	v10 =	vbroadcast v7, $0x0;
	v11 =	vbroadcast v8, $0x0;
	v7 =	vshll.u32 v17, v1;
	[tilespmem:s15], [sflag:$0x3] =	stream.linear.gather [hbm4b:s0+s31], $0x200, $0x38;
	[tilespmem:$0x18C00] =	vst v63  }
0x38: {  	s19 =	sand.u32 $0x78, s18;
	v8 =	vmov s16;
	v14 =	vbroadcast v9, $0x0;
	v20 =	vbroadcast v16, $0x0;
	_ =	swait.ge [sflag:s17], $0x200  }
0x39: {  	v9 =	vmov s19;
	v13 =	vbroadcast v21, $0x0;
	v15 =	vbroadcast v12, $0x0;
	[sflag:s17] =	ssyncset.done $0x0  }
0x3a: {  	s24 =	simm.s32 $0x1;
	s20 =	simm.s32 $0x8400;
	v24 =	vbroadcast v23, $0x0;
	v8 =	vmul.u32 $0x88, v8;
	v9 =	vshrl.u32 v9, $0x3;
	[sflag:s17] =	ssyncadd.s32 $0xFFFFFE00  }
0x3b: {  	v12 =	vshll.u32 v18, v1;
	v18 =	vbroadcast v22, $0x0;
	v17 =	vbroadcast v25, $0x0;
	[tilespmem:s20], [sflag:$0x2] =	stream.indirect.gather [hbm4b:s4+s15], $0x40, s15, s15, $0xb8;
	[tilespmem:$0x18C00] =	vst v63  }
0x3c: {  	v21 =	vbroadcast v26, $0x0;
	v9 =	vshll.u32 v9, v1;
	v8 =	vbroadcast v8, $0x0;
	_ =	swait.ge [sflag:s24], $0x8000  }
0x3d: {  	v19 =	vshrl.u32 v19, $0x3;
	v16 =	vbroadcast v7, $0x0;
	v9 =	vbroadcast v9, $0x0;
	[sflag:s24] =	ssyncset.done $0x0  }
0x3e: {  	s30 =	simm.s32 $0x600;
	v23 =	vshll.u32 v19, v1;
	v19 =	vbroadcast v12, $0x0;
	v22 =	vadd.s32 v0, v8;
	[sflag:s24] =	ssyncadd.s32 $0xFFFF8000  }
0x3f: {  	v38 =	vadd.s32 v2, v8;
	v46 =	vadd.s32 v3, v8;
	v7 =	vadd.s32 v9, v22;
	v12 =	vld [tilespmem:s30+$0x1C0]  }
0x40: {  	v25 =	vor.u32 $0x7, v7;
	v7 =	vbroadcast v23, $0x0;
	v23 =	vadd.s32 v10, v22;
	v29 =	vld [tilespmem:s30+$0xFFFFFE00]  }
0x41: {  	v8 =	vadd.s32 v4, v8;
	v26 =	vadd.s32 v11, v22;
	v23 =	vor.u32 $0x1, v23;
	v31 =	vld [tilespmem:s30+$0xFFFFFE40]  }
0x42: {  	v27 =	vadd.s32 v14, v22;
	v28 =	vadd.s32 v20, v22;
	v26 =	vor.u32 $0x2, v26;
	v35 =	vld [tilespmem:s30+$0xFFFFFE80]  }
0x43: {  	v30 =	vadd.s32 v13, v22;
	v32 =	vadd.s32 v15, v22;
	v27 =	vor.u32 $0x3, v27;
	v37 =	vld [tilespmem:s30+$0xFFFFFEC0]  }
0x44: {  	v33 =	vadd.s32 v18, v22;
	v34 =	vadd.s32 v24, v22;
	v28 =	vor.u32 $0x4, v28;
	v40 =	vld [tilespmem:s30+$0xFFFFFF00]  }
0x45: {  	v36 =	vadd.s32 v17, v22;
	v39 =	vadd.s32 v21, v22;
	v30 =	vor.u32 $0x5, v30;
	v44 =	vld [tilespmem:s30+$0xFFFFFF40];
	[tilespmem:v25+s22+$0x0] =	vst.idx.msk $0xffff, v12  }
0x46: {  	v41 =	vadd.s32 v19, v22;
	v55 =	vadd.s32 v10, v38;
	v32 =	vor.u32 $0x6, v32;
	v45 =	vld [tilespmem:s30+$0xFFFFFF80];
	[tilespmem:v23+s22+$0x0] =	vst.idx.msk $0xffff, v31  }
0x47: {  	v47 =	vadd.s32 v11, v38;
	v34 =	vor.u32 $0x1, v34;
	v43 =	vadd.s32 v7, v22;
	v54 =	vld [tilespmem:s30+$0x40];
	[tilespmem:v26+s22+$0x0] =	vst.idx.msk $0xffff, v35  }
0x48: {  	v56 =	vadd.s32 v14, v38;
	v48 =	vadd.s32 v20, v38;
	v43 =	vor.u32 $0x6, v43;
	v51 =	vld [tilespmem:s30+$0x180];
	[tilespmem:v27+s22+$0x0] =	vst.idx.msk $0xffff, v37  }
0x49: {  	v57 =	vadd.s32 v13, v38;
	v49 =	vadd.s32 v15, v38;
	v33 =	vor.u32 $0x7, v33;
	v23 =	vld [tilespmem:s30+$0xFFFFFFC0];
	[tilespmem:v28+s22+$0x0] =	vst.idx.msk $0xffff, v40  }
0x4a: {  	v58 =	vadd.s32 v18, v38;
	v50 =	vadd.s32 v24, v38;
	v36 =	vor.u32 $0x2, v36;
	v28 =	vld [tilespmem:s30+$0x80];
	[tilespmem:v30+s22+$0x0] =	vst.idx.msk $0xffff, v44  }
0x4b: {  	v60 =	vadd.s32 v17, v38;
	v61 =	vadd.s32 v21, v38;
	v39 =	vor.u32 $0x3, v39;
	v30 =	vld [tilespmem:s30+$0xC0];
	[tilespmem:v32+s22+$0x0] =	vst.idx.msk $0xffff, v45  }
0x4c: {  	v59 =	vld [tilespmem:s30+$0x100];
	v12 =	vadd.s32 v9, v38;
	v31 =	vadd.s32 v6, v22;
	[tilespmem:v34+s22+$0x0] =	vst.idx.msk $0xffff, v54  }
0x4d: {  	v48 =	vor.u32 $0x4, v48;
	v25 =	vadd.s32 v16, v22;
	v26 =	vld [tilespmem:s30+$0x0];
	v22 =	vadd.s32 v5, v22;
	[tilespmem:v43+s22+$0x0] =	vst.idx.msk $0xffff, v51  }
0x4e: {  	v49 =	vor.u32 $0x6, v49;
	v50 =	vor.u32 $0x1, v50;
	v42 =	vld [tilespmem:s30+$0x1D0];
	v12 =	vor.u32 $0x7, v12;
	[tilespmem:v33+s22+$0x0] =	vst.idx.msk $0xffff, v23  }
0x4f: {  	v52 =	vor.u32 $0x2, v60;
	v35 =	vor.u32 $0x5, v41;
	v25 =	vor.u32 $0x4, v25;
	v63 =	vld [tilespmem:s30+$0xFFFFFE50];
	[tilespmem:v36+s22+$0x0] =	vst.idx.msk $0xffff, v28  }
0x50: {  	v40 =	vor.u32 $0x1, v55;
	v44 =	vor.u32 $0x2, v47;
	v45 =	vor.u32 $0x3, v56;
	v53 =	vld [tilespmem:s30+$0xFFFFFE90];
	[tilespmem:v39+s22+$0x0] =	vst.idx.msk $0xffff, v30  }
0x51: {  	v47 =	vor.u32 $0x7, v58;
	v32 =	vadd.s32 v5, v38;
	v34 =	vadd.s32 v15, v46;
	v56 =	vld [tilespmem:s30+$0xFFFFFF10];
	[tilespmem:v31+s22+$0x0] =	vst.idx.msk $0xffff, v29  }
0x52: {  	v54 =	vor.u32 $0x3, v61;
	v58 =	vld [tilespmem:s30+$0xFFFFFF90];
	v28 =	vadd.s32 v7, v38;
	v29 =	vadd.s32 v24, v46;
	[tilespmem:v22+s22+$0x0] =	vst.idx.msk $0xffff, v26  }
0x53: {  	v43 =	vld [tilespmem:s30+$0x190];
	v22 =	vadd.s32 v17, v46;
	v39 =	vor.u32 $0x6, v34;
	[tilespmem:v12+s22+$0x0] =	vst.idx.msk $0xffff, v42;
	v12 =	vadd.s32 v9, v46  }
0x54: {  	v23 =	vld [tilespmem:s30+$0x140];
	v9 =	vadd.s32 v9, v8;
	v42 =	vor.u32 $0x5, v57;
	[tilespmem:v25+s22+$0x0] =	vst.idx.msk $0xffff, v59;
	v28 =	vor.u32 $0x6, v28  }
0x55: {  	v25 =	vadd.s32 v10, v46;
	[tilespmem:v40+s22+$0x0] =	vst.idx.msk $0xffff, v63;
	v40 =	vadd.s32 v19, v46;
	v27 =	vld [tilespmem:s30+$0x1E0];
	v12 =	vor.u32 $0x7, v12  }
0x56: {  	v57 =	vld [tilespmem:s30+$0xFFFFFF50];
	[tilespmem:v44+s22+$0x0] =	vst.idx.msk $0xffff, v53;
	v44 =	vadd.s32 v7, v46;
	v31 =	vor.u32 $0x1, v29;
	v10 =	vadd.s32 v10, v8  }
0x57: {  	v51 =	vld [tilespmem:s30+$0xFFFFFFD0];
	v29 =	vor.u32 $0x2, v22;
	[tilespmem:v49+s22+$0x0] =	vst.idx.msk $0xffff, v58;
	v58 =	vadd.s32 v14, v8;
	v63 =	vadd.s32 v13, v8  }
0x58: {  	v59 =	vld [tilespmem:s30+$0x50];
	[tilespmem:v48+s22+$0x0] =	vst.idx.msk $0xffff, v56;
	v49 =	vadd.s32 v15, v8;
	v48 =	vadd.s32 v21, v8;
	v9 =	vor.u32 $0x7, v9  }
0x59: {  	v60 =	vld [tilespmem:s30+$0x90];
	v30 =	vor.u32 $0x1, v25;
	v25 =	vadd.s32 v20, v46;
	v22 =	vor.u32 $0x6, v44;
	[tilespmem:v35+s22+$0x0] =	vst.idx.msk $0xffff, v23  }
0x5a: {  	v53 =	vld [tilespmem:s30+$0xD0];
	v10 =	vor.u32 $0x1, v10;
	v23 =	vadd.s32 v11, v46;
	v35 =	vor.u32 $0x4, v25;
	[tilespmem:v12+s22+$0x0] =	vst.idx.msk $0xffff, v27  }
0x5b: {  	v25 =	vadd.s32 v21, v46;
	v11 =	vadd.s32 v11, v8;
	v12 =	vadd.s32 v16, v38;
	v62 =	vld [tilespmem:s30+$0x1F0]  }
0x5c: {  	v33 =	vor.u32 $0x2, v23;
	v23 =	vadd.s32 v13, v46;
	[tilespmem:v42+s22+$0x0] =	vst.idx.msk $0xffff, v57;
	v55 =	vor.u32 $0x4, v12;
	v12 =	vld [tilespmem:s30+$0xFFFFFED0]  }
0x5d: {  	v61 =	vld [tilespmem:s30+$0x110];
	v26 =	vor.u32 $0x3, v25;
	[tilespmem:v47+s22+$0x0] =	vst.idx.msk $0xffff, v51;
	v11 =	vor.u32 $0x2, v11;
	v27 =	vadd.s32 v19, v38  }
0x5e: {  	v44 =	vld [tilespmem:s30+$0x10];
	[tilespmem:v50+s22+$0x0] =	vst.idx.msk $0xffff, v59;
	v13 =	vor.u32 $0x3, v58;
	v50 =	vadd.s32 v18, v8;
	v37 =	vor.u32 $0x5, v27  }
0x5f: {  	v21 =	vld [tilespmem:s30+$0xFFFFFF20];
	[tilespmem:v52+s22+$0x0] =	vst.idx.msk $0xffff, v60;
	v27 =	vadd.s32 v6, v38;
	v38 =	vor.u32 $0x5, v23;
	v23 =	vadd.s32 v16, v46  }
0x60: {  	v41 =	vld [tilespmem:s30+$0x150];
	v47 =	vadd.s32 v17, v8;
	v17 =	vor.u32 $0x5, v63;
	v25 =	vor.u32 $0x4, v23;
	[tilespmem:v9+s22+$0x0] =	vst.idx.msk $0xffff, v62  }
0x61: {  	v42 =	vld [tilespmem:s30+$0xFFFFFEA0];
	v23 =	vor.u32 $0x5, v40;
	v9 =	vadd.s32 v14, v46;
	[tilespmem:v45+s22+$0x0] =	vst.idx.msk $0xffff, v12;
	v12 =	vadd.s32 v6, v46  }
0x62: {  	[tilespmem:v54+s22+$0x0] =	vst.idx.msk $0xffff, v53;
	v40 =	vld [tilespmem:s30+$0xFFFFFE10];
	v62 =	vadd.s32 v20, v8;
	v36 =	vor.u32 $0x3, v9;
	v9 =	vadd.s32 v18, v46  }
0x63: {  	v14 =	vld [tilespmem:s30+$0xFFFFFE60];
	v45 =	vadd.s32 v24, v8;
	[tilespmem:v55+s22+$0x0] =	vst.idx.msk $0xffff, v61;
	v15 =	vor.u32 $0x4, v62;
	v34 =	vor.u32 $0x7, v9  }
0x64: {  	v20 =	vld [tilespmem:s30+$0xFFFFFEE0];
	v9 =	vadd.s32 v5, v46;
	v46 =	vadd.s32 v16, v8;
	v16 =	vadd.s32 v19, v8  }
.LBB2_3:
0x65: {  	s2 =	sadd.s32 $0x18, s29;
	v51 =	vld [tilespmem:s30+$0xFFFFFF60];
	v18 =	vor.u32 $0x6, v49;
	v19 =	vor.u32 $0x7, v50;
	[tilespmem:v37+s22+$0x0] =	vst.idx.msk $0xffff, v41;
	v49 =	vadd.s32 v7, v8;
	s0 =	smov.u32 s29;
	s29 =	sadd.s32 $0x10, s29  }
0x66: {  	v24 =	vor.u32 $0x1, v45;
	v7 =	vor.u32 $0x2, v47;
	v41 =	vor.u32 $0x3, v48;
	s7 =	sadd.s32 $0x11, s0;
	s16 =	sadd.s32 $0x12, s0;
	s19 =	sadd.s32 $0x13, s0;
	v50 =	vld [tilespmem:s30+$0xFFFFFFA0];
	[tilespmem:v28+s22+$0x0] =	vst.idx.msk $0xffff, v43  }
0x67: {  	v37 =	vor.u32 $0x5, v16;
	s20 =	sadd.s32 $0x14, s0;
	s24 =	sadd.s32 $0x15, s0;
	s1 =	sadd.s32 $0x16, s0;
	v28 =	vor.u32 $0x6, v49;
	[tilespmem:v27+s22+$0x0] =	vst.idx.msk $0xffff, v40;
	v43 =	vld [tilespmem:s30+$0xFFFFFFE0];
	v40 =	vor.u32 $0x4, v46  }
0x68: {  	s6 =	sand.u32 $0x70, s29;
	s5 =	sadd.s32 $0x17, s0;
	s2 =	sand.u32 $0x78, s2;
	v27 =	vadd.s32 v6, v8;
	v8 =	vadd.s32 v5, v8;
	[tilespmem:v32+s22+$0x0] =	vst.idx.msk $0xffff, v44;
	v5 =	vld [tilespmem:s30+$0x60]  }
0x69: {  	v6 =	vmov s6;
	s6 =	sand.u32 $0x70, s7;
	s7 =	sand.u32 $0x70, s16;
	v16 =	vmov s2;
	s2 =	sadd.s32 $0x19, s0;
	[tilespmem:v30+s22+$0x0] =	vst.idx.msk $0xffff, v14;
	v14 =	vld [tilespmem:s30+$0xA0]  }
0x6a: {  	s16 =	sadd.s32 $0x1A, s0;
	v32 =	vmov s7;
	s7 =	sand.u32 $0x70, s20;
	v30 =	vmov s6;
	s6 =	sand.u32 $0x70, s19;
	[tilespmem:v33+s22+$0x0] =	vst.idx.msk $0xffff, v42;
	v33 =	vld [tilespmem:s30+$0xE0]  }
0x6b: {  	s1 =	sand.u32 $0x70, s1;
	v44 =	vmov s7;
	s7 =	sadd.s32 $0x1B, s0;
	v42 =	vmov s6;
	s6 =	sand.u32 $0x70, s24;
	[tilespmem:v36+s22+$0x0] =	vst.idx.msk $0xffff, v20;
	v20 =	vld [tilespmem:s30+$0x120]  }
0x6c: {  	v45 =	vmov s1;
	s1 =	sand.u32 $0x70, s5;
	s2 =	sand.u32 $0x78, s2;
	s5 =	sadd.s32 $0x1C, s0;
	v36 =	vmov s6;
	[tilespmem:v35+s22+$0x0] =	vst.idx.msk $0xffff, v21;
	v21 =	vld [tilespmem:s30+$0x160]  }
0x6d: {  	v46 =	vmov s2;
	s2 =	sand.u32 $0x78, s7;
	s6 =	sadd.s32 $0x1D, s0;
	v35 =	vmov s1;
	s1 =	sand.u32 $0x78, s16;
	[tilespmem:v38+s22+$0x0] =	vst.idx.msk $0xffff, v51;
	v38 =	vld [tilespmem:s30+$0x1A0]  }
0x6e: {  	v48 =	vmov s2;
	s2 =	sand.u32 $0x78, s6;
	v47 =	vmov s1;
	s1 =	sand.u32 $0x78, s5;
	s5 =	sadd.s32 $0x1E, s0;
	v49 =	vld [tilespmem:s30+$0xFFFFFE20];
	[tilespmem:v39+s22+$0x0] =	vst.idx.msk $0xffff, v50  }
0x6f: {  	p0 =	slt.u32 s29, $0x1F0;
	v39 =	vmov s1;
	v50 =	vmov s2;
	s1 =	sand.u32 $0x78, s5;
	[tilespmem:v34+s22+$0x0] =	vst.idx.msk $0xffff, v43;
	v34 =	vld [tilespmem:s30+$0x20]  }
0x70: {  	v6 =	vshrl.u32 v6, $0x3;
	v16 =	vshrl.u32 v16, $0x3;
	v43 =	vmov s1;
	v51 =	vld [tilespmem:s30+$0xFFFFFE70];
	[tilespmem:v31+s22+$0x0] =	vst.idx.msk $0xffff, v5  }
0x71: {  	v5 =	vshrl.u32 v30, $0x3;
	v30 =	vshrl.u32 v32, $0x3;
	v31 =	vshrl.u32 v42, $0x3;
	v32 =	vld [tilespmem:s30+$0xFFFFFEB0];
	[tilespmem:v29+s22+$0x0] =	vst.idx.msk $0xffff, v14  }
0x72: {  	v14 =	vshrl.u32 v44, $0x3;
	v29 =	vshrl.u32 v36, $0x3;
	v36 =	vshrl.u32 v45, $0x3;
	v42 =	vld [tilespmem:s30+$0xFFFFFEF0];
	[tilespmem:v26+s22+$0x0] =	vst.idx.msk $0xffff, v33  }
0x73: {  	v6 =	vshll.u32 v6, v1;
	v26 =	vshrl.u32 v35, $0x3;
	v33 =	vshrl.u32 v46, $0x3;
	v35 =	vld [tilespmem:s30+$0xFFFFFF30];
	[tilespmem:v25+s22+$0x0] =	vst.idx.msk $0xffff, v20  }
0x74: {  	v20 =	vshll.u32 v5, v1;
	v5 =	vshll.u32 v16, v1;
	v16 =	vshrl.u32 v47, $0x3;
	v25 =	vld [tilespmem:s30+$0xFFFFFF70];
	[tilespmem:v23+s22+$0x0] =	vst.idx.msk $0xffff, v21  }
0x75: {  	v21 =	vshll.u32 v30, v1;
	v23 =	vshll.u32 v31, v1;
	v30 =	vshrl.u32 v48, $0x3;
	v31 =	vld [tilespmem:s30+$0xFFFFFFB0];
	[tilespmem:v22+s22+$0x0] =	vst.idx.msk $0xffff, v38  }
0x76: {  	v14 =	vshll.u32 v14, v1;
	v22 =	vshll.u32 v29, v1;
	v29 =	vshrl.u32 v39, $0x3;
	[tilespmem:v12+s22+$0x0] =	vst.idx.msk $0xffff, v49;
	v12 =	vld [tilespmem:s30+$0xFFFFFFF0]  }
0x77: {  	v36 =	vshll.u32 v36, v1;
	v26 =	vshll.u32 v26, v1;
	v38 =	vshrl.u32 v50, $0x3;
	[tilespmem:v9+s22+$0x0] =	vst.idx.msk $0xffff, v34;
	v9 =	vld [tilespmem:s30+$0x70]  }
0x78: {  	v33 =	vshll.u32 v33, v1;
	v39 =	vshrl.u32 v43, $0x3;
	v34 =	vshll.u32 v16, v1;
	[tilespmem:v10+s22+$0x0] =	vst.idx.msk $0xffff, v51;
	v43 =	vld [tilespmem:s30+$0xB0]  }
0x79: {  	v6 =	vbroadcast v6, $0x0;
	v5 =	vbroadcast v5, $0x0;
	v30 =	vshll.u32 v30, v1;
	[tilespmem:v11+s22+$0x0] =	vst.idx.msk $0xffff, v32;
	v32 =	vld [tilespmem:s30+$0xF0]  }
0x7a: {  	s31 =	sadd.s32 $0x1, s31;
	v29 =	vshll.u32 v29, v1;
	v10 =	vbroadcast v20, $0x0;
	v11 =	vbroadcast v21, $0x0;
	[tilespmem:v13+s22+$0x0] =	vst.idx.msk $0xffff, v42;
	v42 =	vld [tilespmem:s30+$0x130]  }
0x7b: {  	s0 =	sadd.s32 $0x1F, s0;
	s1 =	sand.u32 $0x18, s31;
	v14 =	vbroadcast v14, $0x0;
	v13 =	vbroadcast v23, $0x0;
	v23 =	vshll.u32 v38, v1;
	[tilespmem:v15+s22+$0x0] =	vst.idx.msk $0xffff, v35;
	v35 =	vld [tilespmem:s30+$0x170]  }
0x7c: {  	s0 =	sand.u32 $0x78, s0;
	v16 =	vbroadcast v36, $0x0;
	v20 =	vmov s1;
	v15 =	vbroadcast v22, $0x0;
	[tilespmem:v17+s22+$0x0] =	vst.idx.msk $0xffff, v25;
	v22 =	vld [tilespmem:s30+$0x1B0]  }
0x7d: {  	v21 =	vmul.u32 $0x88, v20;
	v17 =	vbroadcast v26, $0x0;
	v25 =	vmov s0;
	v26 =	vld [tilespmem:s30+$0xFFFFFE30];
	[tilespmem:v18+s22+$0x0] =	vst.idx.msk $0xffff, v31  }
0x7e: {  	v20 =	vbroadcast v33, $0x0;
	v18 =	vbroadcast v34, $0x0;
	v25 =	vshrl.u32 v25, $0x3;
	[tilespmem:v19+s22+$0x0] =	vst.idx.msk $0xffff, v12;
	v12 =	vld [tilespmem:s30+$0x30]  }
0x7f: {  	v31 =	vbroadcast v21, $0x0;
	v21 =	vbroadcast v30, $0x0;
	v25 =	vshll.u32 v25, v1;
	[tilespmem:v24+s22+$0x0] =	vst.idx.msk $0xffff, v9  }
0x80: {  	v19 =	vbroadcast v29, $0x0;
	v9 =	vshll.u32 v39, v1;
	v25 =	vbroadcast v25, $0x0;
	[tilespmem:v7+s22+$0x0] =	vst.idx.msk $0xffff, v43  }
0x81: {  	v29 =	vadd.s32 v0, v31;
	v24 =	vbroadcast v23, $0x0;
	v7 =	vbroadcast v9, $0x0;
	[tilespmem:v41+s22+$0x0] =	vst.idx.msk $0xffff, v32  }
0x82: {  	s30 =	sadd.s32 $0x400, s30;
	v23 =	vadd.s32 v10, v29;
	v30 =	vadd.s32 v11, v29;
	v9 =	vadd.s32 v25, v29  }
0x83: {  	v33 =	vadd.s32 v14, v29;
	v32 =	vadd.s32 v13, v29;
	v36 =	vor.u32 $0x7, v9;
	v34 =	vld [tilespmem:s30+$0x1C0];
	[tilespmem:v40+s22+$0x0] =	vst.idx.msk $0xffff, v42  }
0x84: {  	v38 =	vadd.s32 v15, v29;
	v39 =	vadd.s32 v16, v29;
	v40 =	vadd.s32 v17, v29;
	v9 =	vld [tilespmem:s30+$0xFFFFFE00]  }
0x85: {  	v43 =	vadd.s32 v18, v29;
	v44 =	vadd.s32 v21, v29;
	v42 =	vadd.s32 v20, v29;
	v41 =	vld [tilespmem:s30+$0xFFFFFE40]  }
0x86: {  	v46 =	vadd.s32 v19, v29;
	v47 =	vadd.s32 v24, v29;
	v48 =	vadd.s32 v7, v29;
	v45 =	vld [tilespmem:s30+$0xFFFFFE80]  }
0x87: {  	v49 =	vadd.s32 v2, v31;
	v23 =	vor.u32 $0x1, v23;
	v30 =	vor.u32 $0x2, v30;
	v50 =	vld [tilespmem:s30+$0xFFFFFEC0];
	[tilespmem:v37+s22+$0x0] =	vst.idx.msk $0xffff, v35  }
0x88: {  	v33 =	vor.u32 $0x4, v33;
	v32 =	vor.u32 $0x3, v32;
	v35 =	vld [tilespmem:s30+$0xFFFFFF00];
	[tilespmem:v36+s22+$0x0] =	vst.idx.msk $0xffff, v34;
	v34 =	vadd.s32 v25, v49  }
0x89: {  	v37 =	vor.u32 $0x6, v39;
	v36 =	vor.u32 $0x5, v38;
	v38 =	vld [tilespmem:s30+$0x1D0];
	v34 =	vor.u32 $0x7, v34;
	[tilespmem:v28+s22+$0x0] =	vst.idx.msk $0xffff, v22  }
0x8a: {  	v39 =	vor.u32 $0x1, v42;
	v28 =	vor.u32 $0x7, v40;
	v40 =	vor.u32 $0x2, v43;
	v22 =	vld [tilespmem:s30+$0xFFFFFF40];
	[tilespmem:v27+s22+$0x0] =	vst.idx.msk $0xffff, v26  }
0x8b: {  	v42 =	vor.u32 $0x4, v46;
	v43 =	vor.u32 $0x5, v47;
	v27 =	vor.u32 $0x3, v44;
	v26 =	vld [tilespmem:s30+$0xFFFFFF80];
	[tilespmem:v8+s22+$0x0] =	vst.idx.msk $0xffff, v12  }
0x8c: {  	v12 =	vadd.s32 v6, v29;
	v29 =	vadd.s32 v5, v29;
	[tilespmem:v23+s22+$0x0] =	vst.idx.msk $0xffff, v41;
	v23 =	vld [tilespmem:s30+$0xFFFFFFC0];
	v41 =	vor.u32 $0x6, v48  }
0x8d: {  	v44 =	vadd.s32 v3, v31;
	v8 =	vadd.s32 v10, v49;
	[tilespmem:v30+s22+$0x0] =	vst.idx.msk $0xffff, v45;
	v45 =	vld [tilespmem:s30+$0x0]  }
0x8e: {  	v46 =	vor.u32 $0x1, v8;
	v8 =	vadd.s32 v11, v49;
	v30 =	vld [tilespmem:s30+$0x40];
	[tilespmem:v34+s22+$0x0] =	vst.idx.msk $0xffff, v38;
	v34 =	vadd.s32 v25, v44  }
0x8f: {  	v38 =	vadd.s32 v14, v49;
	[tilespmem:v32+s22+$0x0] =	vst.idx.msk $0xffff, v50;
	v32 =	vadd.s32 v13, v49;
	v47 =	vld [tilespmem:s30+$0x1E0];
	v34 =	vor.u32 $0x7, v34  }
0x90: {  	v48 =	vor.u32 $0x2, v8;
	[tilespmem:v33+s22+$0x0] =	vst.idx.msk $0xffff, v35;
	v33 =	vadd.s32 v15, v49;
	v35 =	vadd.s32 v16, v49;
	v50 =	vld [tilespmem:s30+$0x80]  }
0x91: {  	v51 =	vor.u32 $0x3, v32;
	v32 =	vadd.s32 v20, v49;
	[tilespmem:v36+s22+$0x0] =	vst.idx.msk $0xffff, v22;
	v22 =	vadd.s32 v17, v49;
	v36 =	vld [tilespmem:s30+$0xC0]  }
0x92: {  	v52 =	vor.u32 $0x4, v38;
	[tilespmem:v37+s22+$0x0] =	vst.idx.msk $0xffff, v26;
	v26 =	vadd.s32 v18, v49;
	v37 =	vadd.s32 v21, v49;
	v38 =	vld [tilespmem:s30+$0x100]  }
0x93: {  	v8 =	vadd.s32 v4, v31;
	v53 =	vor.u32 $0x5, v33;
	[tilespmem:v28+s22+$0x0] =	vst.idx.msk $0xffff, v23;
	v23 =	vadd.s32 v19, v49;
	v31 =	vld [tilespmem:s30+$0x140]  }
0x94: {  	v25 =	vadd.s32 v25, v8;
	v54 =	vor.u32 $0x6, v35;
	v28 =	vadd.s32 v24, v49;
	v35 =	vld [tilespmem:s30+$0x180];
	[tilespmem:v34+s22+$0x0] =	vst.idx.msk $0xffff, v47  }
0x95: {  	v25 =	vor.u32 $0x7, v25;
	v47 =	vor.u32 $0x7, v22;
	v22 =	vadd.s32 v7, v49;
	[tilespmem:v39+s22+$0x0] =	vst.idx.msk $0xffff, v30;
	v33 =	vld [tilespmem:s30+$0x1F0]  }
0x96: {  	v55 =	vor.u32 $0x1, v32;
	v56 =	vor.u32 $0x2, v26;
	v57 =	vor.u32 $0x3, v37;
	v34 =	vld [tilespmem:s30+$0xFFFFFE50];
	[tilespmem:v40+s22+$0x0] =	vst.idx.msk $0xffff, v50  }
0x97: {  	v58 =	vor.u32 $0x4, v23;
	v37 =	vor.u32 $0x5, v28;
	v28 =	vor.u32 $0x6, v22;
	v26 =	vld [tilespmem:s30+$0xFFFFFE90];
	[tilespmem:v27+s22+$0x0] =	vst.idx.msk $0xffff, v36  }
0x98: {  	v32 =	vadd.s32 v5, v49;
	v27 =	vadd.s32 v6, v49;
	v22 =	vld [tilespmem:s30+$0xFFFFFED0];
	[tilespmem:v42+s22+$0x0] =	vst.idx.msk $0xffff, v38  }
0x99: {  	v23 =	vadd.s32 v10, v44;
	v36 =	vadd.s32 v11, v44;
	v40 =	vld [tilespmem:s30+$0xFFFFFF10];
	[tilespmem:v43+s22+$0x0] =	vst.idx.msk $0xffff, v31  }
0x9a: {  	v30 =	vor.u32 $0x1, v23;
	v23 =	vadd.s32 v13, v44;
	v31 =	vadd.s32 v14, v44;
	v42 =	vld [tilespmem:s30+$0xFFFFFF50];
	[tilespmem:v25+s22+$0x0] =	vst.idx.msk $0xffff, v33  }
0x9b: {  	v39 =	vadd.s32 v16, v44;
	v33 =	vor.u32 $0x2, v36;
	v25 =	vadd.s32 v15, v44;
	v49 =	vld [tilespmem:s30+$0xFFFFFF90];
	[tilespmem:v41+s22+$0x0] =	vst.idx.msk $0xffff, v35  }
0x9c: {  	v36 =	vor.u32 $0x3, v23;
	[tilespmem:v12+s22+$0x0] =	vst.idx.msk $0xffff, v9;
	v50 =	vld [tilespmem:s30+$0xFFFFFFD0];
	v9 =	vadd.s32 v17, v44;
	v12 =	vadd.s32 v20, v44  }
0x9d: {  	v23 =	vadd.s32 v18, v44;
	v35 =	vor.u32 $0x4, v31;
	v41 =	vadd.s32 v21, v44;
	[tilespmem:v29+s22+$0x0] =	vst.idx.msk $0xffff, v45;
	v45 =	vld [tilespmem:s30+$0x50]  }
0x9e: {  	v43 =	vadd.s32 v24, v44;
	v38 =	vor.u32 $0x5, v25;
	v25 =	vadd.s32 v19, v44;
	[tilespmem:v46+s22+$0x0] =	vst.idx.msk $0xffff, v34;
	v46 =	vld [tilespmem:s30+$0x90]  }
0x9f: {  	v39 =	vor.u32 $0x6, v39;
	v34 =	vor.u32 $0x7, v9;
	v9 =	vadd.s32 v7, v44;
	[tilespmem:v48+s22+$0x0] =	vst.idx.msk $0xffff, v26;
	v48 =	vld [tilespmem:s30+$0xD0]  }
0xa0: {  	v31 =	vor.u32 $0x1, v12;
	v29 =	vor.u32 $0x2, v23;
	v26 =	vor.u32 $0x3, v41;
	[tilespmem:v51+s22+$0x0] =	vst.idx.msk $0xffff, v22;
	v51 =	vld [tilespmem:s30+$0x110]  }
0xa1: {  	v25 =	vor.u32 $0x4, v25;
	v23 =	vor.u32 $0x5, v43;
	v22 =	vor.u32 $0x6, v9;
	[tilespmem:v52+s22+$0x0] =	vst.idx.msk $0xffff, v40;
	v41 =	vld [tilespmem:s30+$0x150]  }
0xa2: {  	v12 =	vadd.s32 v6, v44;
	v9 =	vadd.s32 v5, v44;
	[tilespmem:v53+s22+$0x0] =	vst.idx.msk $0xffff, v42;
	v43 =	vld [tilespmem:s30+$0x190]  }
0xa3: {  	v10 =	vadd.s32 v10, v8;
	v11 =	vadd.s32 v11, v8;
	v40 =	vld [tilespmem:s30+$0xFFFFFE10];
	[tilespmem:v54+s22+$0x0] =	vst.idx.msk $0xffff, v49  }
.Ltmp0:
0xa4: {  	v10 =	vor.u32 $0x1, v10;
	v13 =	vadd.s32 v13, v8;
	v52 =	vadd.s32 v14, v8;
	[tilespmem:v47+s22+$0x0] =	vst.idx.msk $0xffff, v50;
	v44 =	vld [tilespmem:s30+$0x10];
	(pc) =	sbr.rel @p0 .LBB2_3-.Ltmp0, $4  }
0xa5: {  	v11 =	vor.u32 $0x2, v11;
	v53 =	vadd.s32 v15, v8;
	v49 =	vadd.s32 v16, v8;
	v14 =	vld [tilespmem:s30+$0xFFFFFE60];
	[tilespmem:v55+s22+$0x0] =	vst.idx.msk $0xffff, v45  }
0xa6: {  	v13 =	vor.u32 $0x3, v13;
	v50 =	vadd.s32 v17, v8;
	v45 =	vadd.s32 v20, v8;
	v42 =	vld [tilespmem:s30+$0xFFFFFEA0];
	[tilespmem:v56+s22+$0x0] =	vst.idx.msk $0xffff, v46  }
0xa7: {  	v15 =	vor.u32 $0x4, v52;
	v47 =	vadd.s32 v18, v8;
	v20 =	vld [tilespmem:s30+$0xFFFFFEE0];
	[tilespmem:v57+s22+$0x0] =	vst.idx.msk $0xffff, v48;
	v48 =	vadd.s32 v21, v8  }
0xa8: {  	v16 =	vadd.s32 v24, v8;
	v17 =	vor.u32 $0x5, v53;
	v46 =	vadd.s32 v19, v8;
	v21 =	vld [tilespmem:s30+$0xFFFFFF20];
	[tilespmem:v58+s22+$0x0] =	vst.idx.msk $0xffff, v51  }
0xa9: {  	_ =	sdelay $0x3  }
0xaa: {  	[tilespmem:v37+s22+$0x0] =	vst.idx.msk $0xffff, v41  }
0xab: {  	[tilespmem:v28+s22+$0x0] =	vst.idx.msk $0xffff, v43  }
0xac: {  	[tilespmem:v27+s22+$0x0] =	vst.idx.msk $0xffff, v40  }
0xad: {  	v18 =	vld [tilespmem:s30+$0xFFFFFF60];
	[tilespmem:v32+s22+$0x0] =	vst.idx.msk $0xffff, v44  }
0xae: {  	v19 =	vld [tilespmem:s30+$0xFFFFFFA0];
	[tilespmem:v30+s22+$0x0] =	vst.idx.msk $0xffff, v14  }
0xaf: {  	v63 =	vld [tilespmem:s30+$0xFFFFFFE0];
	[tilespmem:v33+s22+$0x0] =	vst.idx.msk $0xffff, v42  }
0xb0: {  	v24 =	vld [tilespmem:s30+$0x60];
	[tilespmem:v36+s22+$0x0] =	vst.idx.msk $0xffff, v20  }
0xb1: {  	v28 =	vld [tilespmem:s30+$0xA0];
	[tilespmem:v35+s22+$0x0] =	vst.idx.msk $0xffff, v21  }
0xb2: {  	v32 =	vld [tilespmem:s30+$0x120];
	[tilespmem:v38+s22+$0x0] =	vst.idx.msk $0xffff, v18  }
0xb3: {  	v30 =	vld [tilespmem:s30+$0xE0];
	[tilespmem:v39+s22+$0x0] =	vst.idx.msk $0xffff, v19  }
0xb4: {  	v37 =	vld [tilespmem:s30+$0x20];
	[tilespmem:v34+s22+$0x0] =	vst.idx.msk $0xffff, v63  }
0xb5: {  	v33 =	vld [tilespmem:s30+$0x160];
	[tilespmem:v31+s22+$0x0] =	vst.idx.msk $0xffff, v24  }
0xb6: {  	v36 =	vld [tilespmem:s30+$0xFFFFFE20];
	[tilespmem:v29+s22+$0x0] =	vst.idx.msk $0xffff, v28  }
0xb7: {  	v35 =	vld [tilespmem:s30+$0x1A0];
	[tilespmem:v25+s22+$0x0] =	vst.idx.msk $0xffff, v32  }
0xb8: {  	v40 =	vld [tilespmem:s30+$0xFFFFFEF0];
	[tilespmem:v26+s22+$0x0] =	vst.idx.msk $0xffff, v30  }
0xb9: {  	v38 =	vld [tilespmem:s30+$0xFFFFFE70];
	[tilespmem:v9+s22+$0x0] =	vst.idx.msk $0xffff, v37  }
0xba: {  	v39 =	vld [tilespmem:s30+$0xFFFFFEB0];
	[tilespmem:v23+s22+$0x0] =	vst.idx.msk $0xffff, v33  }
0xbb: {  	v41 =	vld [tilespmem:s30+$0xFFFFFF30];
	[tilespmem:v12+s22+$0x0] =	vst.idx.msk $0xffff, v36  }
0xbc: {  	v42 =	vld [tilespmem:s30+$0xFFFFFF70];
	[tilespmem:v22+s22+$0x0] =	vst.idx.msk $0xffff, v35  }
0xbd: {  	v43 =	vor.u32 $0x6, v49;
	v44 =	vld [tilespmem:s30+$0xFFFFFFB0];
	[tilespmem:v13+s22+$0x0] =	vst.idx.msk $0xffff, v40  }
0xbe: {  	v49 =	vor.u32 $0x7, v50;
	v50 =	vld [tilespmem:s30+$0xFFFFFFF0];
	[tilespmem:v10+s22+$0x0] =	vst.idx.msk $0xffff, v38  }
0xbf: {  	v51 =	vor.u32 $0x1, v45;
	v52 =	vld [tilespmem:s30+$0x70];
	[tilespmem:v11+s22+$0x0] =	vst.idx.msk $0xffff, v39  }
0xc0: {  	v53 =	vor.u32 $0x2, v47;
	v54 =	vld [tilespmem:s30+$0xB0];
	[tilespmem:v15+s22+$0x0] =	vst.idx.msk $0xffff, v41  }
0xc1: {  	v57 =	vor.u32 $0x4, v46;
	v58 =	vld [tilespmem:s30+$0x130];
	[tilespmem:v17+s22+$0x0] =	vst.idx.msk $0xffff, v42  }
0xc2: {  	v55 =	vor.u32 $0x3, v48;
	v56 =	vld [tilespmem:s30+$0xF0];
	[tilespmem:v43+s22+$0x0] =	vst.idx.msk $0xffff, v44  }
0xc3: {  	v5 =	vadd.s32 v5, v8;
	v63 =	vld [tilespmem:s30+$0x30];
	[tilespmem:v49+s22+$0x0] =	vst.idx.msk $0xffff, v50  }
0xc4: {  	v59 =	vor.u32 $0x5, v16;
	v60 =	vld [tilespmem:s30+$0x170];
	[tilespmem:v51+s22+$0x0] =	vst.idx.msk $0xffff, v52  }
0xc5: {  	v7 =	vadd.s32 v7, v8;
	v6 =	vadd.s32 v6, v8;
	s0 =	sshll.u32 s28, $0x5;
	v62 =	vld [tilespmem:s30+$0xFFFFFE30];
	[tilespmem:v53+s22+$0x0] =	vst.idx.msk $0xffff, v54  }
0xc6: {  	s29 =	sshll.u32 s28, $0x8;
	v7 =	vor.u32 $0x6, v7;
	s0 =	sand.u32 $0xC0, s0;
	v61 =	vld [tilespmem:s30+$0x1B0];
	[tilespmem:v57+s22+$0x0] =	vst.idx.msk $0xffff, v58  }
0xc7: {  	s0 =	sor.u32 s29, s0;
	[tilespmem:v55+s22+$0x0] =	vst.idx.msk $0xffff, v56  }
0xc8: {  	s0 =	sshll.u32 s0, $0x4;
	[tilespmem:v5+s22+$0x0] =	vst.idx.msk $0xffff, v63  }
0xc9: {  	s30 =	sand.u32 $0x1FFF8C00, s0;
	[tilespmem:v59+s22+$0x0] =	vst.idx.msk $0xffff, v60  }
0xca: {  	s31 =	simm.s32 $0x10400;
	s0 =	sadd.s32 s21, s30;
	[tilespmem:v6+s22+$0x0] =	vst.idx.msk $0xffff, v62  }
0xcb: {  	s2 =	simm.s32 $0x10;
	s19 =	simm.s32 $0x10488;
	s7 =	sadd.s32 $0x0, s0;
	[tilespmem:v7+s22+$0x0] =	vst.idx.msk $0xffff, v61  }
.LBB2_5:
0xcc: {  	[hbm4b:s7+s3] =	stream.linear.scatter [tilespmem:s31], [sflag:$0x3], $0x80, $0x38;
	[tilespmem:$0x18C00] =	vst v63  }
0xcd: {  	s1 =	smov.u32 s2;
	s31 =	smov.u32 s19;
	p0 =	sne.s32 s2, $0x1F0  }
.Ltmp1:
0xce: {  	s2 =	sadd.s32 $0x10, s2;
	(pc) =	sbr.rel @p0 .LBB2_5-.Ltmp1, $2  }
0xcf: {  	_ =	sdelay $0x2  }
0xd0: {  	s19 =	sadd.s32 $0x88, s19;
	s7 =	sadd.s32 s1, s0  }
0xd1: {  	[hbm4b:s7+s3] =	stream.linear.scatter [tilespmem:s31], [sflag:$0x3], $0x80, $0x38;
	[tilespmem:$0x18C00] =	vst v63  }
0xd2: {  	s0 =	sadd.s32 s30, s8;
	_ =	swait.ge [sflag:s17], $0x1000  }
0xd3: {  	s31 =	simm.s32 $0x11500;
	s2 =	simm.s32 $0x10;
	[sflag:s17] =	ssyncset.done $0x0  }
0xd4: {  	s19 =	simm.s32 $0x11588;
	s7 =	sadd.s32 $0x0, s0;
	[sflag:s17] =	ssyncadd.s32 $0xFFFFF000  }
.LBB2_7:
0xd5: {  	[hbm4b:s7+s3] =	stream.linear.scatter [tilespmem:s31], [sflag:$0x3], $0x80, $0x38;
	[tilespmem:$0x18C00] =	vst v63  }
0xd6: {  	s1 =	smov.u32 s2;
	s31 =	smov.u32 s19;
	p0 =	sne.s32 s2, $0x1F0  }
.Ltmp2:
0xd7: {  	s2 =	sadd.s32 $0x10, s2;
	(pc) =	sbr.rel @p0 .LBB2_7-.Ltmp2, $2  }
0xd8: {  	_ =	sdelay $0x2  }
0xd9: {  	s19 =	sadd.s32 $0x88, s19;
	s7 =	sadd.s32 s1, s0  }
0xda: {  	[hbm4b:s7+s3] =	stream.linear.scatter [tilespmem:s31], [sflag:$0x3], $0x80, $0x38;
	[tilespmem:$0x18C00] =	vst v63  }
0xdb: {  	s0 =	sadd.s32 s30, s9;
	_ =	swait.ge [sflag:s17], $0x1000  }
0xdc: {  	s31 =	simm.s32 $0x12600;
	s2 =	simm.s32 $0x10;
	[sflag:s17] =	ssyncset.done $0x0  }
0xdd: {  	s19 =	simm.s32 $0x12688;
	s7 =	sadd.s32 $0x0, s0;
	[sflag:s17] =	ssyncadd.s32 $0xFFFFF000  }
.LBB2_9:
0xde: {  	[hbm4b:s7+s3] =	stream.linear.scatter [tilespmem:s31], [sflag:$0x3], $0x80, $0x38;
	[tilespmem:$0x18C00] =	vst v63  }
0xdf: {  	s1 =	smov.u32 s2;
	s31 =	smov.u32 s19;
	p0 =	sne.s32 s2, $0x1F0  }
.Ltmp3:
0xe0: {  	s2 =	sadd.s32 $0x10, s2;
	(pc) =	sbr.rel @p0 .LBB2_9-.Ltmp3, $2  }
0xe1: {  	_ =	sdelay $0x2  }
0xe2: {  	s19 =	sadd.s32 $0x88, s19;
	s7 =	sadd.s32 s1, s0  }
0xe3: {  	[hbm4b:s7+s3] =	stream.linear.scatter [tilespmem:s31], [sflag:$0x3], $0x80, $0x38;
	[tilespmem:$0x18C00] =	vst v63  }
0xe4: {  	s0 =	sadd.s32 s30, s10;
	_ =	swait.ge [sflag:s17], $0x1000  }
0xe5: {  	s31 =	simm.s32 $0x13700;
	s2 =	simm.s32 $0x10;
	[sflag:s17] =	ssyncset.done $0x0  }
0xe6: {  	s19 =	simm.s32 $0x13788;
	s7 =	sadd.s32 $0x0, s0;
	[sflag:s17] =	ssyncadd.s32 $0xFFFFF000  }
.LBB2_11:
0xe7: {  	[hbm4b:s7+s3] =	stream.linear.scatter [tilespmem:s31], [sflag:$0x3], $0x80, $0x38;
	[tilespmem:$0x18C00] =	vst v63  }
0xe8: {  	s1 =	smov.u32 s2;
	s31 =	smov.u32 s19;
	p0 =	sne.s32 s2, $0x1F0  }
.Ltmp4:
0xe9: {  	s2 =	sadd.s32 $0x10, s2;
	(pc) =	sbr.rel @p0 .LBB2_11-.Ltmp4, $2  }
0xea: {  	_ =	sdelay $0x2  }
0xeb: {  	s19 =	sadd.s32 $0x88, s19;
	s7 =	sadd.s32 s1, s0  }
0xec: {  	[hbm4b:s7+s3] =	stream.linear.scatter [tilespmem:s31], [sflag:$0x3], $0x80, $0x38;
	[tilespmem:$0x18C00] =	vst v63  }
0xed: {  	s0 =	sadd.s32 s30, s11;
	_ =	swait.ge [sflag:s17], $0x1000  }
0xee: {  	s31 =	simm.s32 $0x14800;
	s2 =	simm.s32 $0x10;
	[sflag:s17] =	ssyncset.done $0x0  }
0xef: {  	s19 =	simm.s32 $0x14888;
	s7 =	sadd.s32 $0x0, s0;
	[sflag:s17] =	ssyncadd.s32 $0xFFFFF000  }
.LBB2_13:
0xf0: {  	[hbm4b:s7+s3] =	stream.linear.scatter [tilespmem:s31], [sflag:$0x3], $0x80, $0x38;
	[tilespmem:$0x18C00] =	vst v63  }
0xf1: {  	s1 =	smov.u32 s2;
	s31 =	smov.u32 s19;
	p0 =	sne.s32 s2, $0x1F0  }
.Ltmp5:
0xf2: {  	s2 =	sadd.s32 $0x10, s2;
	(pc) =	sbr.rel @p0 .LBB2_13-.Ltmp5, $2  }
0xf3: {  	_ =	sdelay $0x2  }
0xf4: {  	s19 =	sadd.s32 $0x88, s19;
	s7 =	sadd.s32 s1, s0  }
0xf5: {  	[hbm4b:s7+s3] =	stream.linear.scatter [tilespmem:s31], [sflag:$0x3], $0x80, $0x38;
	[tilespmem:$0x18C00] =	vst v63  }
0xf6: {  	s0 =	sadd.s32 s30, s12;
	_ =	swait.ge [sflag:s17], $0x1000  }
0xf7: {  	s31 =	simm.s32 $0x15900;
	s2 =	simm.s32 $0x10;
	[sflag:s17] =	ssyncset.done $0x0  }
0xf8: {  	s19 =	simm.s32 $0x15988;
	s7 =	sadd.s32 $0x0, s0;
	[sflag:s17] =	ssyncadd.s32 $0xFFFFF000  }
.LBB2_15:
0xf9: {  	[hbm4b:s7+s3] =	stream.linear.scatter [tilespmem:s31], [sflag:$0x3], $0x80, $0x38;
	[tilespmem:$0x18C00] =	vst v63  }
0xfa: {  	s1 =	smov.u32 s2;
	s31 =	smov.u32 s19;
	p0 =	sne.s32 s2, $0x1F0  }
.Ltmp6:
0xfb: {  	s2 =	sadd.s32 $0x10, s2;
	(pc) =	sbr.rel @p0 .LBB2_15-.Ltmp6, $2  }
0xfc: {  	_ =	sdelay $0x2  }
0xfd: {  	s19 =	sadd.s32 $0x88, s19;
	s7 =	sadd.s32 s1, s0  }
0xfe: {  	[hbm4b:s7+s3] =	stream.linear.scatter [tilespmem:s31], [sflag:$0x3], $0x80, $0x38;
	[tilespmem:$0x18C00] =	vst v63  }
0xff: {  	s0 =	sadd.s32 s30, s13;
	_ =	swait.ge [sflag:s17], $0x1000  }
0x100: {  	s31 =	simm.s32 $0x16A00;
	s2 =	simm.s32 $0x10;
	[sflag:s17] =	ssyncset.done $0x0  }
0x101: {  	s19 =	simm.s32 $0x16A88;
	s7 =	sadd.s32 $0x0, s0;
	[sflag:s17] =	ssyncadd.s32 $0xFFFFF000  }
.LBB2_17:
0x102: {  	[hbm4b:s7+s3] =	stream.linear.scatter [tilespmem:s31], [sflag:$0x3], $0x80, $0x38;
	[tilespmem:$0x18C00] =	vst v63  }
0x103: {  	s1 =	smov.u32 s2;
	s31 =	smov.u32 s19;
	p0 =	sne.s32 s2, $0x1F0  }
.Ltmp7:
0x104: {  	s2 =	sadd.s32 $0x10, s2;
	(pc) =	sbr.rel @p0 .LBB2_17-.Ltmp7, $2  }
0x105: {  	_ =	sdelay $0x2  }
0x106: {  	s19 =	sadd.s32 $0x88, s19;
	s7 =	sadd.s32 s1, s0  }
0x107: {  	[hbm4b:s7+s3] =	stream.linear.scatter [tilespmem:s31], [sflag:$0x3], $0x80, $0x38;
	[tilespmem:$0x18C00] =	vst v63  }
0x108: {  	s30 =	sadd.s32 s30, s14;
	_ =	swait.ge [sflag:s17], $0x1000  }
0x109: {  	s0 =	simm.s32 $0x17B00;
	s2 =	simm.s32 $0x10;
	[sflag:s17] =	ssyncset.done $0x0  }
0x10a: {  	s19 =	simm.s32 $0x17B88;
	s31 =	sadd.s32 $0x0, s30;
	[sflag:s17] =	ssyncadd.s32 $0xFFFFF000  }
.LBB2_19:
0x10b: {  	[hbm4b:s31+s3] =	stream.linear.scatter [tilespmem:s0], [sflag:$0x3], $0x80, $0x38;
	[tilespmem:$0x18C00] =	vst v63  }
0x10c: {  	s1 =	smov.u32 s2;
	s0 =	smov.u32 s19;
	p0 =	sne.s32 s2, $0x1F0  }
.Ltmp8:
0x10d: {  	s2 =	sadd.s32 $0x10, s2;
	(pc) =	sbr.rel @p0 .LBB2_19-.Ltmp8, $2  }
0x10e: {  	_ =	sdelay $0x2  }
0x10f: {  	s19 =	sadd.s32 $0x88, s19;
	s31 =	sadd.s32 s1, s30  }
0x110: {  	s30 =	simm.s32 $0x0;
	s1 =	simm.s32 $0x8  }
0x111: {  	s2 =	simm.s32 $0x1;
	s5 =	simm.s32 $0x2;
	s6 =	simm.s32 $0x3  }
0x112: {  	s7 =	simm.s32 $0x4;
	s16 =	simm.s32 $0x5;
	s19 =	simm.s32 $0x6  }
0x113: {  	s24 =	simm.s32 $0x7;
	s15 =	simm.s32 $0x9;
	s18 =	simm.s32 $0xA  }
0x114: {  	s20 =	sand.u32 $0x70, s30;
	s1 =	sand.u32 $0x78, s1;
	s2 =	sand.u32 $0x70, s2  }
0x115: {  	s5 =	sand.u32 $0x70, s5;
	s6 =	sand.u32 $0x70, s6;
	s7 =	sand.u32 $0x70, s7;
	v5 =	vmov s20;
	v6 =	vmov s1;
	v7 =	vmov s2  }
0x116: {  	s16 =	sand.u32 $0x70, s16;
	s19 =	sand.u32 $0x70, s19;
	v8 =	vmov s5;
	v9 =	vmov s6;
	v10 =	vmov s7;
	s6 =	sand.u32 $0x70, s24  }
0x117: {  	s7 =	sand.u32 $0x78, s15;
	v11 =	vmov s16;
	v12 =	vmov s19;
	s19 =	sand.u32 $0x78, s18;
	v13 =	vmov s6  }
0x118: {  	v14 =	vmov s7;
	v15 =	vmov s19;
	v5 =	vshrl.u32 v5, $0x3  }
0x119: {  	s20 =	simm.s32 $0xB;
	s15 =	simm.s32 $0xC;
	s24 =	simm.s32 $0xD;
	v6 =	vshrl.u32 v6, $0x3;
	v7 =	vshrl.u32 v7, $0x3;
	v8 =	vshrl.u32 v8, $0x3  }
0x11a: {  	s16 =	simm.s32 $0xE;
	s20 =	sand.u32 $0x78, s20;
	s7 =	sand.u32 $0x78, s15;
	v9 =	vshrl.u32 v9, $0x3;
	v10 =	vshrl.u32 v10, $0x3;
	v11 =	vshrl.u32 v11, $0x3  }
0x11b: {  	s15 =	sand.u32 $0x78, s24;
	s18 =	sand.u32 $0x78, s16;
	v12 =	vshrl.u32 v12, $0x3;
	v16 =	vmov s20;
	v17 =	vmov s7  }
0x11c: {  	v18 =	vmov s15;
	v19 =	vmov s18;
	v5 =	vshll.u32 v5, v1  }
0x11d: {  	v13 =	vshrl.u32 v13, $0x3;
	v14 =	vshrl.u32 v14, $0x3;
	v7 =	vshll.u32 v7, v1  }
0x11e: {  	[hbm4b:s31+s3] =	stream.linear.scatter [tilespmem:s0], [sflag:$0x3], $0x80, $0x38;
	v20 =	vshll.u32 v6, v1;
	v6 =	vshrl.u32 v15, $0x3;
	v8 =	vshll.u32 v8, v1;
	[tilespmem:$0x18C00] =	vst v63  }
0x11f: {  	p0 =	seq.s32 s25, $0x18;
	s31 =	simm.s32 $0x0;
	_ =	swait.ge [sflag:s17], $0x1000;
	v9 =	vshll.u32 v9, v1;
	v21 =	vshll.u32 v11, v1;
	v12 =	vshll.u32 v12, v1  }
0x120: {  	s0 =	sshll.u32 @!p0 s28, $0x6;
	[sflag:s17] =	ssyncset.done $0x0;
	s1 =	rddreg [dreg:$0x6];
	v15 =	vshrl.u32 v16, $0x3;
	v16 =	vshll.u32 v10, v1;
	v17 =	vshrl.u32 v17, $0x3  }
0x121: {  	[sflag:s17] =	ssyncadd.s32 $0xFFFFF000;
	s0 =	sadd.s32 @!p0 s0, s1;
	s1 =	simm.s32 @!p0 $0x0;
	v22 =	vshll.u32 v13, v1;
	v18 =	vshrl.u32 v18, $0x3;
	v23 =	vshll.u32 v14, v1  }
0x122: {  	[tilespmem:s1], [sflag:$0x3] =	stream.linear.gather @!p0 [hbm4b:s0+s1], $0x200, $0x38;
	v25 =	vshll.u32 v6, v1;
	v6 =	vbroadcast v5, $0x0;
	v5 =	vbroadcast v20, $0x0;
	[tilespmem:$0x18C00] =	vst v63  }
0x123: {  	s19 =	sand.u32 $0x18, s31;
	s0 =	simm.s32 @!p0 $0x3;
	v19 =	vshrl.u32 v19, $0x3;
	v10 =	vbroadcast v7, $0x0;
	v11 =	vbroadcast v8, $0x0  }
0x124: {  	s20 =	simm.s32 $0xF;
	_ =	swait.ge @!p0 [sflag:s0], $0x200;
	v8 =	vmov s19;
	v13 =	vbroadcast v9, $0x0;
	v14 =	vbroadcast v21, $0x0  }
0x125: {  	s24 =	sand.u32 $0x78, s20;
	v26 =	vshll.u32 v15, v1;
	v7 =	vshll.u32 v17, v1;
	[sflag:s0] =	ssyncset.done @!p0 $0x0;
	v8 =	vmul.u32 $0x88, v8  }
0x126: {  	s2 =	simm.s32 @!p0 $0x400;
	v9 =	vmov s24;
	v20 =	vbroadcast v16, $0x0;
	v15 =	vbroadcast v12, $0x0;
	[sflag:s0] =	ssyncadd.s32 @!p0 $0xFFFFFE00;
	s0 =	simm.s32 @!p0 $0x200  }
0x127: {  	v12 =	vshll.u32 v18, v1;
	v18 =	vbroadcast v22, $0x0;
	v9 =	vshrl.u32 v9, $0x3;
	[tilespmem:s2], [sflag:$0x1] =	stream.indirect.gather @!p0 [hbm4b:s4+s0], $0x40, s1, s0, $0xb8;
	[tilespmem:$0x18C00] =	vst v63  }
0x128: {  	v24 =	vbroadcast v23, $0x0;
	v8 =	vbroadcast v8, $0x0;
	v9 =	vshll.u32 v9, v1;
	_ =	swait.ge [sflag:s23], $0x8000  }
0x129: {  	v17 =	vbroadcast v25, $0x0;
	v23 =	vshll.u32 v19, v1;
	v9 =	vbroadcast v9, $0x0;
	[sflag:s23] =	ssyncset.done $0x0  }
0x12a: {  	s28 =	simm.s32 $0x8600;
	v21 =	vbroadcast v26, $0x0;
	v16 =	vbroadcast v7, $0x0;
	v22 =	vadd.s32 v0, v8;
	[sflag:s23] =	ssyncadd.s32 $0xFFFF8000  }
0x12b: {  	v19 =	vbroadcast v12, $0x0;
	v38 =	vadd.s32 v2, v8;
	v7 =	vadd.s32 v9, v22;
	v12 =	vld [tilespmem:s28+$0x1C0]  }
0x12c: {  	v46 =	vadd.s32 v3, v8;
	v26 =	vadd.s32 v11, v22;
	v25 =	vor.u32 $0x7, v7;
	v29 =	vld [tilespmem:s28+$0xFFFFFE00]  }
0x12d: {  	v8 =	vadd.s32 v4, v8;
	v27 =	vadd.s32 v13, v22;
	v35 =	vld [tilespmem:s28+$0xFFFFFE80];
	v26 =	vor.u32 $0x2, v26  }
0x12e: {  	v28 =	vadd.s32 v20, v22;
	v30 =	vadd.s32 v14, v22;
	v37 =	vld [tilespmem:s28+$0xFFFFFEC0];
	v27 =	vor.u32 $0x3, v27  }
0x12f: {  	v32 =	vadd.s32 v15, v22;
	v33 =	vadd.s32 v18, v22;
	v40 =	vld [tilespmem:s28+$0xFFFFFF00];
	v28 =	vor.u32 $0x4, v28  }
0x130: {  	v34 =	vadd.s32 v24, v22;
	v36 =	vadd.s32 v17, v22;
	v44 =	vld [tilespmem:s28+$0xFFFFFF40];
	v30 =	vor.u32 $0x5, v30  }
0x131: {  	v39 =	vadd.s32 v21, v22;
	v7 =	vbroadcast v23, $0x0;
	v32 =	vor.u32 $0x6, v32;
	v45 =	vld [tilespmem:s28+$0xFFFFFF80];
	[tilespmem:v25+s22+$0x0] =	vst.idx.msk $0xffff, v12  }
0x132: {  	v41 =	vadd.s32 v19, v22;
	v23 =	vadd.s32 v10, v22;
	v34 =	vor.u32 $0x1, v34;
	v60 =	vld [tilespmem:s28+$0x40];
	[tilespmem:v26+s22+$0x0] =	vst.idx.msk $0xffff, v35  }
0x133: {  	v61 =	vadd.s32 v10, v38;
	v31 =	vld [tilespmem:s28+$0xFFFFFE40];
	v23 =	vor.u32 $0x1, v23;
	v43 =	vadd.s32 v7, v22;
	[tilespmem:v27+s22+$0x0] =	vst.idx.msk $0xffff, v37  }
0x134: {  	v47 =	vadd.s32 v11, v38;
	v62 =	vadd.s32 v13, v38;
	v51 =	vld [tilespmem:s28+$0x180];
	v43 =	vor.u32 $0x6, v43;
	[tilespmem:v28+s22+$0x0] =	vst.idx.msk $0xffff, v40  }
0x135: {  	v48 =	vadd.s32 v20, v38;
	v55 =	vadd.s32 v14, v38;
	v36 =	vor.u32 $0x2, v36;
	v28 =	vld [tilespmem:s28+$0x80];
	[tilespmem:v30+s22+$0x0] =	vst.idx.msk $0xffff, v44  }
0x136: {  	v49 =	vadd.s32 v15, v38;
	v39 =	vor.u32 $0x3, v39;
	v12 =	vadd.s32 v9, v38;
	v30 =	vld [tilespmem:s28+$0xC0];
	[tilespmem:v32+s22+$0x0] =	vst.idx.msk $0xffff, v45  }
0x137: {  	v56 =	vadd.s32 v18, v38;
	v50 =	vadd.s32 v24, v38;
	[tilespmem:v34+s22+$0x0] =	vst.idx.msk $0xffff, v60;
	v42 =	vld [tilespmem:s28+$0x1D0];
	v12 =	vor.u32 $0x7, v12  }
0x138: {  	v58 =	vadd.s32 v17, v38;
	v33 =	vor.u32 $0x7, v33;
	v25 =	vadd.s32 v16, v22;
	[tilespmem:v23+s22+$0x0] =	vst.idx.msk $0xffff, v31;
	v23 =	vld [tilespmem:s28+$0xFFFFFFC0]  }
0x139: {  	v59 =	vadd.s32 v21, v38;
	v63 =	vor.u32 $0x1, v61;
	v57 =	vld [tilespmem:s28+$0x100];
	v25 =	vor.u32 $0x4, v25;
	[tilespmem:v43+s22+$0x0] =	vst.idx.msk $0xffff, v51  }
0x13a: {  	v48 =	vor.u32 $0x4, v48;
	v49 =	vor.u32 $0x6, v49;
	v26 =	vld [tilespmem:s28+$0x0];
	v31 =	vadd.s32 v6, v22;
	[tilespmem:v36+s22+$0x0] =	vst.idx.msk $0xffff, v28  }
0x13b: {  	v50 =	vor.u32 $0x1, v50;
	v52 =	vor.u32 $0x2, v58;
	v22 =	vadd.s32 v5, v22;
	v53 =	vld [tilespmem:s28+$0xFFFFFE90];
	[tilespmem:v39+s22+$0x0] =	vst.idx.msk $0xffff, v30  }
0x13c: {  	v54 =	vor.u32 $0x3, v59;
	v44 =	vor.u32 $0x2, v47;
	v47 =	vor.u32 $0x7, v56;
	v56 =	vld [tilespmem:s28+$0xFFFFFF10];
	[tilespmem:v12+s22+$0x0] =	vst.idx.msk $0xffff, v42  }
0x13d: {  	v35 =	vor.u32 $0x5, v41;
	v32 =	vadd.s32 v5, v38;
	v34 =	vadd.s32 v15, v46;
	v58 =	vld [tilespmem:s28+$0xFFFFFF90];
	[tilespmem:v33+s22+$0x0] =	vst.idx.msk $0xffff, v23  }
0x13e: {  	v45 =	vor.u32 $0x3, v62;
	v40 =	vadd.s32 v19, v46;
	v62 =	vadd.s32 v20, v8;
	v59 =	vld [tilespmem:s28+$0x50];
	[tilespmem:v25+s22+$0x0] =	vst.idx.msk $0xffff, v57  }
0x13f: {  	v61 =	vld [tilespmem:s28+$0xFFFFFE50];
	v28 =	vadd.s32 v7, v38;
	v39 =	vor.u32 $0x6, v34;
	v12 =	vadd.s32 v9, v46;
	[tilespmem:v31+s22+$0x0] =	vst.idx.msk $0xffff, v29  }
0x140: {  	v9 =	vadd.s32 v9, v8;
	v25 =	vadd.s32 v10, v46;
	[tilespmem:v22+s22+$0x0] =	vst.idx.msk $0xffff, v26;
	v27 =	vld [tilespmem:s28+$0x1E0];
	v12 =	vor.u32 $0x7, v12  }
0x141: {  	v43 =	vld [tilespmem:s28+$0x190];
	v42 =	vor.u32 $0x5, v55;
	v29 =	vadd.s32 v24, v46;
	v22 =	vadd.s32 v17, v46;
	[tilespmem:v44+s22+$0x0] =	vst.idx.msk $0xffff, v53  }
0x142: {  	v23 =	vld [tilespmem:s28+$0x140];
	v28 =	vor.u32 $0x6, v28;
	v44 =	vadd.s32 v7, v46;
	v10 =	vadd.s32 v10, v8;
	[tilespmem:v49+s22+$0x0] =	vst.idx.msk $0xffff, v58  }
0x143: {  	v57 =	vld [tilespmem:s28+$0xFFFFFF50];
	v49 =	vadd.s32 v15, v8;
	[tilespmem:v50+s22+$0x0] =	vst.idx.msk $0xffff, v59;
	v50 =	vadd.s32 v18, v8;
	v15 =	vor.u32 $0x4, v62  }
0x144: {  	v53 =	vld [tilespmem:s28+$0xD0];
	[tilespmem:v48+s22+$0x0] =	vst.idx.msk $0xffff, v56;
	v48 =	vadd.s32 v21, v8;
	v9 =	vor.u32 $0x7, v9;
	v30 =	vor.u32 $0x1, v25  }
0x145: {  	v25 =	vadd.s32 v20, v46;
	v51 =	vld [tilespmem:s28+$0xFFFFFFD0];
	v31 =	vor.u32 $0x1, v29;
	v29 =	vor.u32 $0x2, v22;
	[tilespmem:v12+s22+$0x0] =	vst.idx.msk $0xffff, v27  }
0x146: {  	[tilespmem:v63+s22+$0x0] =	vst.idx.msk $0xffff, v61;
	v22 =	vor.u32 $0x6, v44;
	v10 =	vor.u32 $0x1, v10;
	v63 =	vadd.s32 v14, v8;
	v60 =	vld [tilespmem:s28+$0x1F0]  }
0x147: {  	v61 =	vld [tilespmem:s28+$0x110];
	[tilespmem:v35+s22+$0x0] =	vst.idx.msk $0xffff, v23;
	v23 =	vadd.s32 v11, v46;
	v35 =	vor.u32 $0x4, v25;
	v12 =	vadd.s32 v16, v38  }
0x148: {  	v25 =	vadd.s32 v21, v46;
	v11 =	vadd.s32 v11, v8;
	v55 =	vor.u32 $0x4, v12;
	v12 =	vld [tilespmem:s28+$0xFFFFFED0]  }
0x149: {  	v44 =	vld [tilespmem:s28+$0x10];
	v27 =	vadd.s32 v19, v38;
	v33 =	vor.u32 $0x2, v23;
	v23 =	vadd.s32 v14, v46  }
0x14a: {  	[tilespmem:v42+s22+$0x0] =	vst.idx.msk $0xffff, v57;
	v42 =	vld [tilespmem:s28+$0xFFFFFE60];
	v26 =	vor.u32 $0x3, v25;
	v11 =	vor.u32 $0x2, v11;
	v37 =	vor.u32 $0x5, v27  }
0x14b: {  	v27 =	vadd.s32 v6, v38;
	v38 =	vor.u32 $0x5, v23;
	v23 =	vadd.s32 v16, v46;
	[tilespmem:v9+s22+$0x0] =	vst.idx.msk $0xffff, v60;
	v60 =	vld [tilespmem:s28+$0x90]  }
0x14c: {  	v41 =	vld [tilespmem:s28+$0x150];
	[tilespmem:v47+s22+$0x0] =	vst.idx.msk $0xffff, v51;
	v47 =	vadd.s32 v17, v8;
	v17 =	vor.u32 $0x5, v63;
	v25 =	vor.u32 $0x4, v23  }
0x14d: {  	v21 =	vld [tilespmem:s28+$0xFFFFFF20];
	v23 =	vor.u32 $0x5, v40;
	v9 =	vadd.s32 v13, v46;
	[tilespmem:v45+s22+$0x0] =	vst.idx.msk $0xffff, v12;
	v12 =	vadd.s32 v6, v46  }
0x14e: {  	[tilespmem:v54+s22+$0x0] =	vst.idx.msk $0xffff, v53;
	v40 =	vld [tilespmem:s28+$0xFFFFFE10];
	v13 =	vadd.s32 v13, v8;
	v36 =	vor.u32 $0x3, v9;
	v9 =	vadd.s32 v18, v46  }
0x14f: {  	v14 =	vld [tilespmem:s28+$0xFFFFFEA0];
	v45 =	vadd.s32 v24, v8;
	[tilespmem:v55+s22+$0x0] =	vst.idx.msk $0xffff, v61;
	v34 =	vor.u32 $0x7, v9;
	v9 =	vadd.s32 v5, v46  }
0x150: {  	v13 =	vor.u32 $0x3, v13;
	v20 =	vld [tilespmem:s28+$0xFFFFFEE0];
	v46 =	vadd.s32 v16, v8;
	v16 =	vadd.s32 v19, v8;
	[tilespmem:v52+s22+$0x0] =	vst.idx.msk $0xffff, v60  }
.LBB2_21:
0x151: {  	s1 =	sadd.s32 $0x18, s30;
	v51 =	vld [tilespmem:s28+$0xFFFFFF60];
	v18 =	vor.u32 $0x6, v49;
	v19 =	vor.u32 $0x7, v50;
	[tilespmem:v37+s22+$0x0] =	vst.idx.msk $0xffff, v41;
	v49 =	vadd.s32 v7, v8;
	s0 =	smov.u32 s30;
	s30 =	sadd.s32 $0x10, s30  }
0x152: {  	v24 =	vor.u32 $0x1, v45;
	v7 =	vor.u32 $0x2, v47;
	v41 =	vor.u32 $0x3, v48;
	s2 =	sadd.s32 $0x11, s0;
	s5 =	sadd.s32 $0x12, s0;
	s6 =	sadd.s32 $0x13, s0;
	v50 =	vld [tilespmem:s28+$0xFFFFFFA0];
	[tilespmem:v28+s22+$0x0] =	vst.idx.msk $0xffff, v43  }
0x153: {  	v37 =	vor.u32 $0x5, v16;
	s7 =	sadd.s32 $0x14, s0;
	s15 =	sadd.s32 $0x15, s0;
	s16 =	sadd.s32 $0x16, s0;
	v28 =	vor.u32 $0x6, v49;
	[tilespmem:v27+s22+$0x0] =	vst.idx.msk $0xffff, v40;
	v43 =	vld [tilespmem:s28+$0xFFFFFFE0];
	v40 =	vor.u32 $0x4, v46  }
0x154: {  	s18 =	sand.u32 $0x70, s30;
	s19 =	sadd.s32 $0x17, s0;
	s1 =	sand.u32 $0x78, s1;
	v27 =	vadd.s32 v6, v8;
	v8 =	vadd.s32 v5, v8;
	[tilespmem:v32+s22+$0x0] =	vst.idx.msk $0xffff, v44;
	v5 =	vld [tilespmem:s28+$0x60]  }
0x155: {  	v6 =	vmov s18;
	s2 =	sand.u32 $0x70, s2;
	s5 =	sand.u32 $0x70, s5;
	v16 =	vmov s1;
	s1 =	sadd.s32 $0x19, s0;
	[tilespmem:v30+s22+$0x0] =	vst.idx.msk $0xffff, v42;
	v30 =	vld [tilespmem:s28+$0xA0]  }
0x156: {  	v32 =	vmov s2;
	s2 =	sand.u32 $0x70, s6;
	s6 =	sadd.s32 $0x1A, s0;
	v42 =	vmov s5;
	s5 =	sand.u32 $0x70, s7;
	[tilespmem:v33+s22+$0x0] =	vst.idx.msk $0xffff, v14;
	v14 =	vld [tilespmem:s28+$0xE0]  }
0x157: {  	s7 =	sadd.s32 $0x1B, s0;
	v33 =	vmov s2;
	v44 =	vmov s5;
	s2 =	sand.u32 $0x70, s15;
	s5 =	sand.u32 $0x70, s16;
	[tilespmem:v36+s22+$0x0] =	vst.idx.msk $0xffff, v20;
	v20 =	vld [tilespmem:s28+$0x120]  }
0x158: {  	s1 =	sand.u32 $0x78, s1;
	v36 =	vmov s2;
	v45 =	vmov s5;
	s2 =	sand.u32 $0x70, s19;
	s5 =	sadd.s32 $0x1C, s0;
	[tilespmem:v35+s22+$0x0] =	vst.idx.msk $0xffff, v21;
	v21 =	vld [tilespmem:s28+$0x160]  }
0x159: {  	v46 =	vmov s1;
	s1 =	sand.u32 $0x78, s6;
	s6 =	sadd.s32 $0x1D, s0;
	v35 =	vmov s2;
	s2 =	sand.u32 $0x78, s7;
	[tilespmem:v38+s22+$0x0] =	vst.idx.msk $0xffff, v51;
	v38 =	vld [tilespmem:s28+$0x1A0]  }
0x15a: {  	v47 =	vmov s1;
	s1 =	sand.u32 $0x78, s5;
	s5 =	sadd.s32 $0x1E, s0;
	v48 =	vmov s2;
	s2 =	sand.u32 $0x78, s6;
	v49 =	vld [tilespmem:s28+$0xFFFFFE20];
	[tilespmem:v39+s22+$0x0] =	vst.idx.msk $0xffff, v50  }
0x15b: {  	p0 =	slt.u32 s30, $0x1F0;
	v39 =	vmov s1;
	v50 =	vmov s2;
	s1 =	sand.u32 $0x78, s5;
	[tilespmem:v34+s22+$0x0] =	vst.idx.msk $0xffff, v43;
	v34 =	vld [tilespmem:s28+$0x20]  }
0x15c: {  	v6 =	vshrl.u32 v6, $0x3;
	v16 =	vshrl.u32 v16, $0x3;
	v43 =	vmov s1;
	v51 =	vld [tilespmem:s28+$0xFFFFFE70];
	[tilespmem:v31+s22+$0x0] =	vst.idx.msk $0xffff, v5  }
0x15d: {  	v5 =	vshrl.u32 v32, $0x3;
	v31 =	vshrl.u32 v42, $0x3;
	v32 =	vshrl.u32 v33, $0x3;
	v33 =	vld [tilespmem:s28+$0xFFFFFEB0];
	[tilespmem:v29+s22+$0x0] =	vst.idx.msk $0xffff, v30  }
0x15e: {  	v29 =	vshrl.u32 v44, $0x3;
	v30 =	vshrl.u32 v36, $0x3;
	v36 =	vshrl.u32 v45, $0x3;
	v42 =	vld [tilespmem:s28+$0xFFFFFEF0];
	[tilespmem:v26+s22+$0x0] =	vst.idx.msk $0xffff, v14  }
0x15f: {  	v6 =	vshll.u32 v6, v1;
	v14 =	vshrl.u32 v35, $0x3;
	v26 =	vshrl.u32 v46, $0x3;
	v35 =	vld [tilespmem:s28+$0xFFFFFF30];
	[tilespmem:v25+s22+$0x0] =	vst.idx.msk $0xffff, v20  }
0x160: {  	v20 =	vshll.u32 v5, v1;
	v5 =	vshll.u32 v16, v1;
	v16 =	vshrl.u32 v47, $0x3;
	v25 =	vld [tilespmem:s28+$0xFFFFFF70];
	[tilespmem:v23+s22+$0x0] =	vst.idx.msk $0xffff, v21  }
0x161: {  	v21 =	vshll.u32 v31, v1;
	v23 =	vshll.u32 v32, v1;
	v31 =	vshrl.u32 v48, $0x3;
	v32 =	vld [tilespmem:s28+$0xFFFFFFB0];
	[tilespmem:v22+s22+$0x0] =	vst.idx.msk $0xffff, v38  }
0x162: {  	v22 =	vshll.u32 v29, v1;
	v29 =	vshll.u32 v30, v1;
	v30 =	vshrl.u32 v39, $0x3;
	[tilespmem:v12+s22+$0x0] =	vst.idx.msk $0xffff, v49;
	v12 =	vld [tilespmem:s28+$0xFFFFFFF0]  }
0x163: {  	v36 =	vshll.u32 v36, v1;
	v38 =	vshll.u32 v14, v1;
	v39 =	vshrl.u32 v50, $0x3;
	[tilespmem:v9+s22+$0x0] =	vst.idx.msk $0xffff, v34;
	v9 =	vld [tilespmem:s28+$0x70]  }
0x164: {  	v43 =	vshrl.u32 v43, $0x3;
	v26 =	vshll.u32 v26, v1;
	v34 =	vshll.u32 v16, v1;
	[tilespmem:v10+s22+$0x0] =	vst.idx.msk $0xffff, v51;
	v44 =	vld [tilespmem:s28+$0xB0]  }
0x165: {  	v6 =	vbroadcast v6, $0x0;
	v5 =	vbroadcast v5, $0x0;
	v31 =	vshll.u32 v31, v1;
	[tilespmem:v11+s22+$0x0] =	vst.idx.msk $0xffff, v33;
	v33 =	vld [tilespmem:s28+$0xF0]  }
0x166: {  	s31 =	sadd.s32 $0x1, s31;
	v30 =	vshll.u32 v30, v1;
	v10 =	vbroadcast v20, $0x0;
	v11 =	vbroadcast v21, $0x0;
	[tilespmem:v13+s22+$0x0] =	vst.idx.msk $0xffff, v42;
	v42 =	vld [tilespmem:s28+$0x130]  }
0x167: {  	s0 =	sadd.s32 $0x1F, s0;
	s1 =	sand.u32 $0x18, s31;
	v14 =	vbroadcast v22, $0x0;
	v22 =	vshll.u32 v39, v1;
	v13 =	vbroadcast v23, $0x0;
	[tilespmem:v15+s22+$0x0] =	vst.idx.msk $0xffff, v35;
	v23 =	vld [tilespmem:s28+$0x170]  }
0x168: {  	s0 =	sand.u32 $0x78, s0;
	v16 =	vbroadcast v36, $0x0;
	v20 =	vmov s1;
	v15 =	vbroadcast v29, $0x0;
	[tilespmem:v17+s22+$0x0] =	vst.idx.msk $0xffff, v25;
	v25 =	vld [tilespmem:s28+$0x1B0]  }
0x169: {  	v21 =	vmul.u32 $0x88, v20;
	v29 =	vmov s0;
	v17 =	vbroadcast v38, $0x0;
	v35 =	vld [tilespmem:s28+$0xFFFFFE30];
	[tilespmem:v18+s22+$0x0] =	vst.idx.msk $0xffff, v32  }
0x16a: {  	v20 =	vbroadcast v26, $0x0;
	v26 =	vshrl.u32 v29, $0x3;
	v18 =	vbroadcast v34, $0x0;
	[tilespmem:v19+s22+$0x0] =	vst.idx.msk $0xffff, v12;
	v12 =	vld [tilespmem:s28+$0x30]  }
0x16b: {  	v29 =	vbroadcast v21, $0x0;
	v21 =	vbroadcast v31, $0x0;
	v26 =	vshll.u32 v26, v1;
	[tilespmem:v24+s22+$0x0] =	vst.idx.msk $0xffff, v9  }
0x16c: {  	v19 =	vbroadcast v30, $0x0;
	v26 =	vbroadcast v26, $0x0;
	v9 =	vshll.u32 v43, v1;
	[tilespmem:v7+s22+$0x0] =	vst.idx.msk $0xffff, v44  }
0x16d: {  	v30 =	vadd.s32 v0, v29;
	v24 =	vbroadcast v22, $0x0;
	v7 =	vbroadcast v9, $0x0;
	[tilespmem:v41+s22+$0x0] =	vst.idx.msk $0xffff, v33  }
0x16e: {  	s28 =	sadd.s32 $0x400, s28;
	v22 =	vadd.s32 v10, v30;
	v31 =	vadd.s32 v11, v30;
	v9 =	vadd.s32 v26, v30  }
0x16f: {  	v32 =	vadd.s32 v13, v30;
	v33 =	vadd.s32 v14, v30;
	v36 =	vor.u32 $0x7, v9;
	v34 =	vld [tilespmem:s28+$0x1C0];
	[tilespmem:v40+s22+$0x0] =	vst.idx.msk $0xffff, v42  }
0x170: {  	v38 =	vadd.s32 v15, v30;
	v39 =	vadd.s32 v16, v30;
	v40 =	vadd.s32 v17, v30;
	v9 =	vld [tilespmem:s28+$0xFFFFFE00]  }
0x171: {  	v43 =	vadd.s32 v18, v30;
	v44 =	vadd.s32 v21, v30;
	v42 =	vadd.s32 v20, v30;
	v41 =	vld [tilespmem:s28+$0xFFFFFE40]  }
0x172: {  	v46 =	vadd.s32 v19, v30;
	v47 =	vadd.s32 v24, v30;
	v48 =	vadd.s32 v7, v30;
	v45 =	vld [tilespmem:s28+$0xFFFFFE80]  }
0x173: {  	v49 =	vadd.s32 v2, v29;
	v22 =	vor.u32 $0x1, v22;
	v31 =	vor.u32 $0x2, v31;
	v50 =	vld [tilespmem:s28+$0xFFFFFEC0];
	[tilespmem:v37+s22+$0x0] =	vst.idx.msk $0xffff, v23  }
0x174: {  	v33 =	vor.u32 $0x4, v33;
	v23 =	vor.u32 $0x3, v32;
	v32 =	vld [tilespmem:s28+$0xFFFFFF00];
	[tilespmem:v36+s22+$0x0] =	vst.idx.msk $0xffff, v34;
	v34 =	vadd.s32 v26, v49  }
0x175: {  	v37 =	vor.u32 $0x6, v39;
	v36 =	vor.u32 $0x5, v38;
	v38 =	vld [tilespmem:s28+$0x1D0];
	v34 =	vor.u32 $0x7, v34;
	[tilespmem:v28+s22+$0x0] =	vst.idx.msk $0xffff, v25  }
0x176: {  	v39 =	vor.u32 $0x1, v42;
	v28 =	vor.u32 $0x7, v40;
	v40 =	vor.u32 $0x2, v43;
	v25 =	vld [tilespmem:s28+$0xFFFFFF40];
	[tilespmem:v27+s22+$0x0] =	vst.idx.msk $0xffff, v35  }
0x177: {  	v42 =	vor.u32 $0x4, v46;
	v43 =	vor.u32 $0x5, v47;
	v35 =	vor.u32 $0x3, v44;
	v27 =	vld [tilespmem:s28+$0xFFFFFF80];
	[tilespmem:v8+s22+$0x0] =	vst.idx.msk $0xffff, v12  }
0x178: {  	v44 =	vor.u32 $0x6, v48;
	v12 =	vadd.s32 v6, v30;
	[tilespmem:v22+s22+$0x0] =	vst.idx.msk $0xffff, v41;
	v22 =	vld [tilespmem:s28+$0xFFFFFFC0];
	v41 =	vadd.s32 v5, v30  }
0x179: {  	v46 =	vadd.s32 v3, v29;
	v8 =	vadd.s32 v10, v49;
	[tilespmem:v31+s22+$0x0] =	vst.idx.msk $0xffff, v45;
	v31 =	vld [tilespmem:s28+$0x0]  }
0x17a: {  	v45 =	vor.u32 $0x1, v8;
	v8 =	vadd.s32 v11, v49;
	v30 =	vld [tilespmem:s28+$0x40];
	[tilespmem:v34+s22+$0x0] =	vst.idx.msk $0xffff, v38;
	v34 =	vadd.s32 v26, v46  }
0x17b: {  	v38 =	vadd.s32 v14, v49;
	[tilespmem:v23+s22+$0x0] =	vst.idx.msk $0xffff, v50;
	v23 =	vadd.s32 v13, v49;
	v47 =	vld [tilespmem:s28+$0x1E0];
	v34 =	vor.u32 $0x7, v34  }
0x17c: {  	v48 =	vor.u32 $0x2, v8;
	[tilespmem:v33+s22+$0x0] =	vst.idx.msk $0xffff, v32;
	v32 =	vadd.s32 v15, v49;
	v33 =	vadd.s32 v16, v49;
	v50 =	vld [tilespmem:s28+$0x80]  }
0x17d: {  	v23 =	vor.u32 $0x3, v23;
	[tilespmem:v36+s22+$0x0] =	vst.idx.msk $0xffff, v25;
	v25 =	vadd.s32 v17, v49;
	v36 =	vadd.s32 v20, v49;
	v51 =	vld [tilespmem:s28+$0xC0]  }
0x17e: {  	v52 =	vor.u32 $0x4, v38;
	[tilespmem:v37+s22+$0x0] =	vst.idx.msk $0xffff, v27;
	v27 =	vadd.s32 v18, v49;
	v37 =	vadd.s32 v21, v49;
	v38 =	vld [tilespmem:s28+$0x100]  }
0x17f: {  	v8 =	vadd.s32 v4, v29;
	v53 =	vor.u32 $0x5, v32;
	[tilespmem:v28+s22+$0x0] =	vst.idx.msk $0xffff, v22;
	v22 =	vadd.s32 v19, v49;
	v29 =	vld [tilespmem:s28+$0x140]  }
0x180: {  	v26 =	vadd.s32 v26, v8;
	v54 =	vor.u32 $0x6, v33;
	v28 =	vadd.s32 v24, v49;
	v55 =	vld [tilespmem:s28+$0x180];
	[tilespmem:v34+s22+$0x0] =	vst.idx.msk $0xffff, v47  }
0x181: {  	v26 =	vor.u32 $0x7, v26;
	v47 =	vor.u32 $0x7, v25;
	v25 =	vadd.s32 v7, v49;
	[tilespmem:v39+s22+$0x0] =	vst.idx.msk $0xffff, v30;
	v33 =	vld [tilespmem:s28+$0x1F0]  }
0x182: {  	v56 =	vor.u32 $0x1, v36;
	v57 =	vor.u32 $0x2, v27;
	v58 =	vor.u32 $0x3, v37;
	v34 =	vld [tilespmem:s28+$0xFFFFFE50];
	[tilespmem:v40+s22+$0x0] =	vst.idx.msk $0xffff, v50  }
0x183: {  	v37 =	vor.u32 $0x5, v28;
	v28 =	vor.u32 $0x6, v25;
	v39 =	vld [tilespmem:s28+$0xFFFFFE90];
	[tilespmem:v35+s22+$0x0] =	vst.idx.msk $0xffff, v51;
	v51 =	vor.u32 $0x4, v22  }
0x184: {  	v32 =	vadd.s32 v5, v49;
	v27 =	vadd.s32 v6, v49;
	v22 =	vld [tilespmem:s28+$0xFFFFFED0];
	[tilespmem:v42+s22+$0x0] =	vst.idx.msk $0xffff, v38  }
0x185: {  	v25 =	vadd.s32 v10, v46;
	v35 =	vadd.s32 v11, v46;
	v40 =	vld [tilespmem:s28+$0xFFFFFF10];
	[tilespmem:v43+s22+$0x0] =	vst.idx.msk $0xffff, v29  }
0x186: {  	v30 =	vor.u32 $0x1, v25;
	v25 =	vadd.s32 v13, v46;
	v29 =	vadd.s32 v14, v46;
	v42 =	vld [tilespmem:s28+$0xFFFFFF50];
	[tilespmem:v26+s22+$0x0] =	vst.idx.msk $0xffff, v33  }
0x187: {  	v43 =	vadd.s32 v16, v46;
	v33 =	vor.u32 $0x2, v35;
	v26 =	vadd.s32 v15, v46;
	v49 =	vld [tilespmem:s28+$0xFFFFFF90];
	[tilespmem:v44+s22+$0x0] =	vst.idx.msk $0xffff, v55  }
0x188: {  	v36 =	vor.u32 $0x3, v25;
	[tilespmem:v12+s22+$0x0] =	vst.idx.msk $0xffff, v9;
	v44 =	vld [tilespmem:s28+$0xFFFFFFD0];
	v9 =	vadd.s32 v17, v46;
	v12 =	vadd.s32 v20, v46  }
0x189: {  	v25 =	vadd.s32 v18, v46;
	v35 =	vor.u32 $0x4, v29;
	[tilespmem:v41+s22+$0x0] =	vst.idx.msk $0xffff, v31;
	v50 =	vld [tilespmem:s28+$0x50];
	v41 =	vadd.s32 v21, v46  }
0x18a: {  	v59 =	vadd.s32 v24, v46;
	v38 =	vor.u32 $0x5, v26;
	[tilespmem:v45+s22+$0x0] =	vst.idx.msk $0xffff, v34;
	v55 =	vld [tilespmem:s28+$0x90];
	v45 =	vadd.s32 v19, v46  }
0x18b: {  	v34 =	vor.u32 $0x7, v9;
	v9 =	vadd.s32 v7, v46;
	[tilespmem:v48+s22+$0x0] =	vst.idx.msk $0xffff, v39;
	v39 =	vor.u32 $0x6, v43;
	v48 =	vld [tilespmem:s28+$0xD0]  }
0x18c: {  	v29 =	vor.u32 $0x2, v25;
	v31 =	vor.u32 $0x1, v12;
	v26 =	vor.u32 $0x3, v41;
	[tilespmem:v23+s22+$0x0] =	vst.idx.msk $0xffff, v22;
	v60 =	vld [tilespmem:s28+$0x110]  }
0x18d: {  	v25 =	vor.u32 $0x4, v45;
	v23 =	vor.u32 $0x5, v59;
	v22 =	vor.u32 $0x6, v9;
	[tilespmem:v52+s22+$0x0] =	vst.idx.msk $0xffff, v40;
	v41 =	vld [tilespmem:s28+$0x150]  }
0x18e: {  	v12 =	vadd.s32 v6, v46;
	v9 =	vadd.s32 v5, v46;
	[tilespmem:v53+s22+$0x0] =	vst.idx.msk $0xffff, v42;
	v43 =	vld [tilespmem:s28+$0x190]  }
0x18f: {  	v10 =	vadd.s32 v10, v8;
	v11 =	vadd.s32 v11, v8;
	v40 =	vld [tilespmem:s28+$0xFFFFFE10];
	[tilespmem:v54+s22+$0x0] =	vst.idx.msk $0xffff, v49  }
.Ltmp9:
0x190: {  	v10 =	vor.u32 $0x1, v10;
	v13 =	vadd.s32 v13, v8;
	v46 =	vadd.s32 v14, v8;
	[tilespmem:v47+s22+$0x0] =	vst.idx.msk $0xffff, v44;
	v44 =	vld [tilespmem:s28+$0x10];
	(pc) =	sbr.rel @p0 .LBB2_21-.Ltmp9, $4  }
0x191: {  	v11 =	vor.u32 $0x2, v11;
	v52 =	vadd.s32 v15, v8;
	v49 =	vadd.s32 v16, v8;
	v42 =	vld [tilespmem:s28+$0xFFFFFE60];
	[tilespmem:v56+s22+$0x0] =	vst.idx.msk $0xffff, v50  }
0x192: {  	v13 =	vor.u32 $0x3, v13;
	v45 =	vadd.s32 v20, v8;
	v50 =	vadd.s32 v17, v8;
	v14 =	vld [tilespmem:s28+$0xFFFFFEA0];
	[tilespmem:v57+s22+$0x0] =	vst.idx.msk $0xffff, v55  }
0x193: {  	v15 =	vor.u32 $0x4, v46;
	v47 =	vadd.s32 v18, v8;
	v20 =	vld [tilespmem:s28+$0xFFFFFEE0];
	[tilespmem:v58+s22+$0x0] =	vst.idx.msk $0xffff, v48;
	v48 =	vadd.s32 v21, v8  }
0x194: {  	v46 =	vadd.s32 v19, v8;
	v16 =	vadd.s32 v24, v8;
	v17 =	vor.u32 $0x5, v52;
	v21 =	vld [tilespmem:s28+$0xFFFFFF20];
	[tilespmem:v51+s22+$0x0] =	vst.idx.msk $0xffff, v60  }
0x195: {  	_ =	sdelay $0x3  }
0x196: {  	[tilespmem:v37+s22+$0x0] =	vst.idx.msk $0xffff, v41  }
0x197: {  	[tilespmem:v28+s22+$0x0] =	vst.idx.msk $0xffff, v43  }
0x198: {  	[tilespmem:v27+s22+$0x0] =	vst.idx.msk $0xffff, v40  }
0x199: {  	v18 =	vld [tilespmem:s28+$0xFFFFFF60];
	[tilespmem:v32+s22+$0x0] =	vst.idx.msk $0xffff, v44  }
0x19a: {  	v19 =	vld [tilespmem:s28+$0xFFFFFFA0];
	[tilespmem:v30+s22+$0x0] =	vst.idx.msk $0xffff, v42  }
0x19b: {  	v24 =	vld [tilespmem:s28+$0xFFFFFFE0];
	[tilespmem:v33+s22+$0x0] =	vst.idx.msk $0xffff, v14  }
0x19c: {  	v63 =	vld [tilespmem:s28+$0x60];
	[tilespmem:v36+s22+$0x0] =	vst.idx.msk $0xffff, v20  }
0x19d: {  	v28 =	vld [tilespmem:s28+$0xA0];
	[tilespmem:v35+s22+$0x0] =	vst.idx.msk $0xffff, v21  }
0x19e: {  	v32 =	vld [tilespmem:s28+$0x120];
	[tilespmem:v38+s22+$0x0] =	vst.idx.msk $0xffff, v18  }
0x19f: {  	v30 =	vld [tilespmem:s28+$0xE0];
	[tilespmem:v39+s22+$0x0] =	vst.idx.msk $0xffff, v19  }
0x1a0: {  	v37 =	vld [tilespmem:s28+$0x20];
	[tilespmem:v34+s22+$0x0] =	vst.idx.msk $0xffff, v24  }
0x1a1: {  	v33 =	vld [tilespmem:s28+$0x160];
	[tilespmem:v31+s22+$0x0] =	vst.idx.msk $0xffff, v63  }
0x1a2: {  	v36 =	vld [tilespmem:s28+$0xFFFFFE20];
	[tilespmem:v29+s22+$0x0] =	vst.idx.msk $0xffff, v28  }
0x1a3: {  	v35 =	vld [tilespmem:s28+$0x1A0];
	[tilespmem:v25+s22+$0x0] =	vst.idx.msk $0xffff, v32  }
0x1a4: {  	v40 =	vld [tilespmem:s28+$0xFFFFFEF0];
	[tilespmem:v26+s22+$0x0] =	vst.idx.msk $0xffff, v30  }
0x1a5: {  	v38 =	vld [tilespmem:s28+$0xFFFFFE70];
	[tilespmem:v9+s22+$0x0] =	vst.idx.msk $0xffff, v37  }
0x1a6: {  	v39 =	vld [tilespmem:s28+$0xFFFFFEB0];
	[tilespmem:v23+s22+$0x0] =	vst.idx.msk $0xffff, v33  }
0x1a7: {  	v41 =	vld [tilespmem:s28+$0xFFFFFF30];
	[tilespmem:v12+s22+$0x0] =	vst.idx.msk $0xffff, v36  }
0x1a8: {  	v42 =	vld [tilespmem:s28+$0xFFFFFF70];
	[tilespmem:v22+s22+$0x0] =	vst.idx.msk $0xffff, v35  }
0x1a9: {  	v43 =	vor.u32 $0x6, v49;
	v44 =	vld [tilespmem:s28+$0xFFFFFFB0];
	[tilespmem:v13+s22+$0x0] =	vst.idx.msk $0xffff, v40  }
0x1aa: {  	v49 =	vor.u32 $0x7, v50;
	v50 =	vld [tilespmem:s28+$0xFFFFFFF0];
	[tilespmem:v10+s22+$0x0] =	vst.idx.msk $0xffff, v38  }
0x1ab: {  	v51 =	vor.u32 $0x1, v45;
	v52 =	vld [tilespmem:s28+$0x70];
	[tilespmem:v11+s22+$0x0] =	vst.idx.msk $0xffff, v39  }
0x1ac: {  	v53 =	vor.u32 $0x2, v47;
	v54 =	vld [tilespmem:s28+$0xB0];
	[tilespmem:v15+s22+$0x0] =	vst.idx.msk $0xffff, v41  }
0x1ad: {  	v57 =	vor.u32 $0x4, v46;
	v58 =	vld [tilespmem:s28+$0x130];
	[tilespmem:v17+s22+$0x0] =	vst.idx.msk $0xffff, v42  }
0x1ae: {  	v55 =	vor.u32 $0x3, v48;
	v56 =	vld [tilespmem:s28+$0xF0];
	[tilespmem:v43+s22+$0x0] =	vst.idx.msk $0xffff, v44  }
0x1af: {  	v5 =	vadd.s32 v5, v8;
	v63 =	vld [tilespmem:s28+$0x30];
	[tilespmem:v49+s22+$0x0] =	vst.idx.msk $0xffff, v50  }
0x1b0: {  	v59 =	vor.u32 $0x5, v16;
	v60 =	vld [tilespmem:s28+$0x170];
	[tilespmem:v51+s22+$0x0] =	vst.idx.msk $0xffff, v52  }
0x1b1: {  	v7 =	vadd.s32 v7, v8;
	v6 =	vadd.s32 v6, v8;
	s0 =	sshll.u32 s26, $0x5;
	v62 =	vld [tilespmem:s28+$0xFFFFFE30];
	[tilespmem:v53+s22+$0x0] =	vst.idx.msk $0xffff, v54  }
0x1b2: {  	v7 =	vor.u32 $0x6, v7;
	s0 =	sand.u32 $0xE0, s0;
	v61 =	vld [tilespmem:s28+$0x1B0];
	[tilespmem:v57+s22+$0x0] =	vst.idx.msk $0xffff, v58  }
0x1b3: {  	s0 =	sor.u32 s29, s0;
	[tilespmem:v55+s22+$0x0] =	vst.idx.msk $0xffff, v56  }
0x1b4: {  	s0 =	sshll.u32 s0, $0x4;
	[tilespmem:v5+s22+$0x0] =	vst.idx.msk $0xffff, v63  }
0x1b5: {  	s26 =	sand.u32 $0x1FFF8E00, s0;
	[tilespmem:v59+s22+$0x0] =	vst.idx.msk $0xffff, v60  }
0x1b6: {  	s2 =	simm.s32 $0x10;
	s0 =	sadd.s32 s21, s26;
	[tilespmem:v6+s22+$0x0] =	vst.idx.msk $0xffff, v62  }
0x1b7: {  	s19 =	simm.s32 $0x10488;
	s7 =	sadd.s32 $0x0, s0;
	s28 =	simm.s32 $0x10400;
	[tilespmem:v7+s22+$0x0] =	vst.idx.msk $0xffff, v61  }
.LBB2_23:
0x1b8: {  	[hbm4b:s7+s3] =	stream.linear.scatter [tilespmem:s28], [sflag:$0x3], $0x80, $0x38;
	[tilespmem:$0x18C00] =	vst v63  }
0x1b9: {  	s1 =	smov.u32 s2;
	s28 =	smov.u32 s19;
	p0 =	sne.s32 s2, $0x1F0  }
.Ltmp10:
0x1ba: {  	s2 =	sadd.s32 $0x10, s2;
	(pc) =	sbr.rel @p0 .LBB2_23-.Ltmp10, $2  }
0x1bb: {  	_ =	sdelay $0x2  }
0x1bc: {  	s19 =	sadd.s32 $0x88, s19;
	s7 =	sadd.s32 s1, s0  }
0x1bd: {  	[hbm4b:s7+s3] =	stream.linear.scatter [tilespmem:s28], [sflag:$0x3], $0x80, $0x38;
	[tilespmem:$0x18C00] =	vst v63  }
0x1be: {  	s0 =	sadd.s32 s26, s8;
	_ =	swait.ge [sflag:s17], $0x1000  }
0x1bf: {  	s28 =	simm.s32 $0x11500;
	s2 =	simm.s32 $0x10;
	[sflag:s17] =	ssyncset.done $0x0  }
0x1c0: {  	s19 =	simm.s32 $0x11588;
	s7 =	sadd.s32 $0x0, s0;
	[sflag:s17] =	ssyncadd.s32 $0xFFFFF000  }
.LBB2_25:
0x1c1: {  	[hbm4b:s7+s3] =	stream.linear.scatter [tilespmem:s28], [sflag:$0x3], $0x80, $0x38;
	[tilespmem:$0x18C00] =	vst v63  }
0x1c2: {  	s1 =	smov.u32 s2;
	s28 =	smov.u32 s19;
	p0 =	sne.s32 s2, $0x1F0  }
.Ltmp11:
0x1c3: {  	s2 =	sadd.s32 $0x10, s2;
	(pc) =	sbr.rel @p0 .LBB2_25-.Ltmp11, $2  }
0x1c4: {  	_ =	sdelay $0x2  }
0x1c5: {  	s19 =	sadd.s32 $0x88, s19;
	s7 =	sadd.s32 s1, s0  }
0x1c6: {  	[hbm4b:s7+s3] =	stream.linear.scatter [tilespmem:s28], [sflag:$0x3], $0x80, $0x38;
	[tilespmem:$0x18C00] =	vst v63  }
0x1c7: {  	s0 =	sadd.s32 s26, s9;
	_ =	swait.ge [sflag:s17], $0x1000  }
0x1c8: {  	s28 =	simm.s32 $0x12600;
	s2 =	simm.s32 $0x10;
	[sflag:s17] =	ssyncset.done $0x0  }
0x1c9: {  	s19 =	simm.s32 $0x12688;
	s7 =	sadd.s32 $0x0, s0;
	[sflag:s17] =	ssyncadd.s32 $0xFFFFF000  }
.LBB2_27:
0x1ca: {  	[hbm4b:s7+s3] =	stream.linear.scatter [tilespmem:s28], [sflag:$0x3], $0x80, $0x38;
	[tilespmem:$0x18C00] =	vst v63  }
0x1cb: {  	s1 =	smov.u32 s2;
	s28 =	smov.u32 s19;
	p0 =	sne.s32 s2, $0x1F0  }
.Ltmp12:
0x1cc: {  	s2 =	sadd.s32 $0x10, s2;
	(pc) =	sbr.rel @p0 .LBB2_27-.Ltmp12, $2  }
0x1cd: {  	_ =	sdelay $0x2  }
0x1ce: {  	s19 =	sadd.s32 $0x88, s19;
	s7 =	sadd.s32 s1, s0  }
0x1cf: {  	[hbm4b:s7+s3] =	stream.linear.scatter [tilespmem:s28], [sflag:$0x3], $0x80, $0x38;
	[tilespmem:$0x18C00] =	vst v63  }
0x1d0: {  	s0 =	sadd.s32 s26, s10;
	_ =	swait.ge [sflag:s17], $0x1000  }
0x1d1: {  	s28 =	simm.s32 $0x13700;
	s2 =	simm.s32 $0x10;
	[sflag:s17] =	ssyncset.done $0x0  }
0x1d2: {  	s19 =	simm.s32 $0x13788;
	s7 =	sadd.s32 $0x0, s0;
	[sflag:s17] =	ssyncadd.s32 $0xFFFFF000  }
.LBB2_29:
0x1d3: {  	[hbm4b:s7+s3] =	stream.linear.scatter [tilespmem:s28], [sflag:$0x3], $0x80, $0x38;
	[tilespmem:$0x18C00] =	vst v63  }
0x1d4: {  	s1 =	smov.u32 s2;
	s28 =	smov.u32 s19;
	p0 =	sne.s32 s2, $0x1F0  }
.Ltmp13:
0x1d5: {  	s2 =	sadd.s32 $0x10, s2;
	(pc) =	sbr.rel @p0 .LBB2_29-.Ltmp13, $2  }
0x1d6: {  	_ =	sdelay $0x2  }
0x1d7: {  	s19 =	sadd.s32 $0x88, s19;
	s7 =	sadd.s32 s1, s0  }
0x1d8: {  	[hbm4b:s7+s3] =	stream.linear.scatter [tilespmem:s28], [sflag:$0x3], $0x80, $0x38;
	[tilespmem:$0x18C00] =	vst v63  }
0x1d9: {  	s0 =	sadd.s32 s26, s11;
	_ =	swait.ge [sflag:s17], $0x1000  }
0x1da: {  	s28 =	simm.s32 $0x14800;
	s2 =	simm.s32 $0x10;
	[sflag:s17] =	ssyncset.done $0x0  }
0x1db: {  	s19 =	simm.s32 $0x14888;
	s7 =	sadd.s32 $0x0, s0;
	[sflag:s17] =	ssyncadd.s32 $0xFFFFF000  }
.LBB2_31:
0x1dc: {  	[hbm4b:s7+s3] =	stream.linear.scatter [tilespmem:s28], [sflag:$0x3], $0x80, $0x38;
	[tilespmem:$0x18C00] =	vst v63  }
0x1dd: {  	s1 =	smov.u32 s2;
	s28 =	smov.u32 s19;
	p0 =	sne.s32 s2, $0x1F0  }
.Ltmp14:
0x1de: {  	s2 =	sadd.s32 $0x10, s2;
	(pc) =	sbr.rel @p0 .LBB2_31-.Ltmp14, $2  }
0x1df: {  	_ =	sdelay $0x2  }
0x1e0: {  	s19 =	sadd.s32 $0x88, s19;
	s7 =	sadd.s32 s1, s0  }
0x1e1: {  	[hbm4b:s7+s3] =	stream.linear.scatter [tilespmem:s28], [sflag:$0x3], $0x80, $0x38;
	[tilespmem:$0x18C00] =	vst v63  }
0x1e2: {  	s0 =	sadd.s32 s26, s12;
	_ =	swait.ge [sflag:s17], $0x1000  }
0x1e3: {  	s28 =	simm.s32 $0x15900;
	s2 =	simm.s32 $0x10;
	[sflag:s17] =	ssyncset.done $0x0  }
0x1e4: {  	s19 =	simm.s32 $0x15988;
	s7 =	sadd.s32 $0x0, s0;
	[sflag:s17] =	ssyncadd.s32 $0xFFFFF000  }
.LBB2_33:
0x1e5: {  	[hbm4b:s7+s3] =	stream.linear.scatter [tilespmem:s28], [sflag:$0x3], $0x80, $0x38;
	[tilespmem:$0x18C00] =	vst v63  }
0x1e6: {  	s1 =	smov.u32 s2;
	s28 =	smov.u32 s19;
	p0 =	sne.s32 s2, $0x1F0  }
.Ltmp15:
0x1e7: {  	s2 =	sadd.s32 $0x10, s2;
	(pc) =	sbr.rel @p0 .LBB2_33-.Ltmp15, $2  }
0x1e8: {  	_ =	sdelay $0x2  }
0x1e9: {  	s19 =	sadd.s32 $0x88, s19;
	s7 =	sadd.s32 s1, s0  }
0x1ea: {  	[hbm4b:s7+s3] =	stream.linear.scatter [tilespmem:s28], [sflag:$0x3], $0x80, $0x38;
	[tilespmem:$0x18C00] =	vst v63  }
0x1eb: {  	s0 =	sadd.s32 s26, s13;
	_ =	swait.ge [sflag:s17], $0x1000  }
0x1ec: {  	s28 =	simm.s32 $0x16A00;
	s2 =	simm.s32 $0x10;
	[sflag:s17] =	ssyncset.done $0x0  }
0x1ed: {  	s19 =	simm.s32 $0x16A88;
	s7 =	sadd.s32 $0x0, s0;
	[sflag:s17] =	ssyncadd.s32 $0xFFFFF000  }
.LBB2_35:
0x1ee: {  	[hbm4b:s7+s3] =	stream.linear.scatter [tilespmem:s28], [sflag:$0x3], $0x80, $0x38;
	[tilespmem:$0x18C00] =	vst v63  }
0x1ef: {  	s1 =	smov.u32 s2;
	s28 =	smov.u32 s19;
	p0 =	sne.s32 s2, $0x1F0  }
.Ltmp16:
0x1f0: {  	s2 =	sadd.s32 $0x10, s2;
	(pc) =	sbr.rel @p0 .LBB2_35-.Ltmp16, $2  }
0x1f1: {  	_ =	sdelay $0x2  }
0x1f2: {  	s19 =	sadd.s32 $0x88, s19;
	s7 =	sadd.s32 s1, s0  }
0x1f3: {  	[hbm4b:s7+s3] =	stream.linear.scatter [tilespmem:s28], [sflag:$0x3], $0x80, $0x38;
	[tilespmem:$0x18C00] =	vst v63  }
0x1f4: {  	s0 =	sadd.s32 s26, s14;
	_ =	swait.ge [sflag:s17], $0x1000  }
0x1f5: {  	s26 =	simm.s32 $0x17B00;
	s2 =	simm.s32 $0x10;
	[sflag:s17] =	ssyncset.done $0x0  }
0x1f6: {  	s19 =	simm.s32 $0x17B88;
	s7 =	sadd.s32 $0x0, s0;
	[sflag:s17] =	ssyncadd.s32 $0xFFFFF000  }
.LBB2_37:
0x1f7: {  	[hbm4b:s7+s3] =	stream.linear.scatter [tilespmem:s26], [sflag:$0x3], $0x80, $0x38;
	[tilespmem:$0x18C00] =	vst v63  }
0x1f8: {  	s1 =	smov.u32 s2;
	s26 =	smov.u32 s19;
	p0 =	sne.s32 s2, $0x1F0  }
.Ltmp17:
0x1f9: {  	s2 =	sadd.s32 $0x10, s2;
	(pc) =	sbr.rel @p0 .LBB2_37-.Ltmp17, $2  }
0x1fa: {  	_ =	sdelay $0x2  }
0x1fb: {  	s19 =	sadd.s32 $0x88, s19;
	s7 =	sadd.s32 s1, s0  }
0x1fc: {  	s25 =	sadd.s32 $0x1, s25  }
0x1fd: {  	p0 =	sne.s32 s25, $0x19  }
.Ltmp18:
0x1fe: {  	_ = 	snop;
	(pc) =	sbr.rel @p0 .LBB2_2-.Ltmp18, $4  }
0x1ff: {  	[hbm4b:s7+s3] =	stream.linear.scatter [tilespmem:s26], [sflag:$0x3], $0x80, $0x38;
	[tilespmem:$0x18C00] =	vst v63  }
0x200: {  	_ =	swait.ge [sflag:s17], $0x1000  }
0x201: {  	[sflag:s17] =	ssyncset.done $0x0  }
0x202: {  	[sflag:s17] =	ssyncadd.s32 $0xFFFFF000  }
0x203: {  	s1 =	rddreg [dreg:$0x8]  }
0x204: {  	s0 =	rddreg [dreg:$0x7];
	s1 =	sadd.s32 $0x1, s1  }
0x205: {  	p0 =	sne.s32 s1, s0  }
.Ltmp19:
0x206: {  	_ = 	snop;
	(pc) =	sbr.rel @p0 .LBB2_1-.Ltmp19, $1  }
0x207: {  	_ =	sdelay $0x3  }
0x208: {  	_ =	sfence.sel $0x180000  }
0x209: {  	[bflag:$0x0] =	sbarrier.arrive $0xFFFF  }
0x20a: {  	_ =	strace $0x90000047  }
0x20b: {  	s0 =	stileid.u32;
	[bflag:$0x2] =	sbarrier.arrive $0xFFFF  }
0x20c: {  	p0 =	sne.s32 s0, $0x0;
	s0 =	rddreg [dreg:$0x2]  }
0x20d: {  	s0 =	sadd.s32 @!p0 $0x100000, s0  }
0x20e: {  	[sflag:s0] =	ssyncadd.tile.s32 @!p0 $0x1;
	_ =	shalt  }
.Lfunc_end2:
_tile_overlayer_lowered:
.L_overlay_start_2:
0x20f: {  	(tag) =	ssettag $0x2  }
0x210: {  	s0 =	rddreg [dreg:$0x0];
	s2 =	stileid.u32  }
0x211: {  	s1 =	rddreg [dreg:$0x1];
	p0 =	sne.s32 s2, $0x0  }
0x212: {  	s3 =	rddreg [dreg:$0x2];
	[bflag:$0x3] =	sbarrier.arrive $0xFFFF;
	s2 =	simm.s32 @!p0 $0x1C03  }
0x213: {  	[timem:s3], [sflag:s2] =	dma.local @!p0 [hbm:s0], s1  }
0x214: {  	s0 =	simm.s32 @!p0 $0x3  }
0x215: {  	_ =	swait.ge @!p0 [sflag:s0], s1  }
0x216: {  	s1 =	ssub.s32 @!p0 $0x0, s1;
	[sflag:s0] =	ssyncset.done @!p0 $0x0  }
0x217: {  	[sflag:s0] =	ssyncadd.s32 @!p0 s1  }
0x218: {  	[bflag:$0x3] =	sbarrier.arrive $0xFFFF  }
0x219: {  	_ =	shalt  }

</sc_bundles>
